<compile_context>
chip_gen: v7x
topology: tpu7x:2x2x1
jax: 0.10.2.dev20260603
libtpu: 0.0.44.dev20260713+nightly
codegen_flags: <defaults>
</compile_context>

<pallas_src>
import jax
import jax.numpy as jnp
from jax import lax
from jax.experimental import pallas as pl
from jax.experimental.pallas import tpu as pltpu
from jax.experimental.pallas import tpu_sc as plsc

EPSILON = 1.0
ALPHA = 0.25
GAMMA = 2.0
THRESH = 0.95

B, C, N = 8, 13, 2048
TI = 512
NT = N // TI

NC, NS = 2, 16
NW = NC * NS
CHUNK = (B * N) // NW
LANES = 16


def _tc_main_body(logits_ref, labels_ref, lp_ref, pred_u_ref, posi_ref,
                  posall_ref, s_ref, lab12_ref, mask_ref, idx2_ref):
    f32 = jnp.float32
    b = pl.program_id(1)
    lg = logits_ref[0]
    pu = pred_u_ref[0]
    piT = posi_ref[0]
    pa = posall_ref[0]

    rsel = lax.broadcasted_iota(jnp.int32, (B, TI), 0) == b
    lab = jnp.sum(jnp.where(rsel, labels_ref[...], 0), axis=0, keepdims=True)
    lp = jnp.sum(jnp.where(rsel, lp_ref[...], 0.0), axis=0, keepdims=True)

    cls = lax.broadcasted_iota(jnp.int32, (C, TI), 0)
    oh = (cls == lab).astype(f32)
    p = 1.0 / (1.0 + jnp.exp(-lg))
    ce = jnp.maximum(lg, 0.0) - lg * oh + jnp.log1p(jnp.exp(-jnp.abs(lg)))
    pt = oh * p + (1.0 - oh) * (1.0 - p)
    omp = 1.0 - pt
    alpha_t = ALPHA * oh + (1.0 - ALPHA) * (1.0 - oh)
    poly1 = alpha_t * ce * omp * omp + EPSILON * omp * omp * omp
    s_ref[pl.ds(b, 1), :] = jnp.sum(poly1, axis=0, keepdims=True)

    v1 = pu[0:1]
    l1 = jnp.zeros((1, TI), jnp.int32)
    v2 = jnp.full((1, TI), -1.0, f32)
    l2 = jnp.zeros((1, TI), jnp.int32)
    for c in range(1, C):
        v = pu[c:c + 1]
        ci = jnp.full((1, TI), c, jnp.int32)
        gt1 = v > v1
        gt2 = v > v2
        v2 = jnp.where(gt1, v1, jnp.where(gt2, v, v2))
        l2 = jnp.where(gt1, l1, jnp.where(gt2, ci, l2))
        v1 = jnp.where(gt1, v, v1)
        l1 = jnp.where(gt1, ci, l1)

    th = lp >= THRESH
    t2m = ((v1 + v2) >= 0.9) & jnp.logical_not(th)
    lab12_ref[pl.ds(b, 1), :] = l1 * 16 + l2
    mask_ref[pl.ds(b, 1), :] = th.astype(jnp.int32) * 2 + t2m.astype(jnp.int32)

    xi = piT[:, 0:1]
    yi = piT[:, 1:2]
    zi = piT[:, 2:3]
    dx = xi - pa[0:1]
    dy = yi - pa[1:2]
    dz = zi - pa[2:3]
    d2 = (dx * dx + dy * dy) + dz * dz
    jiota = lax.broadcasted_iota(jnp.int32, (1, N), 1).astype(f32)
    i1 = jnp.min(jnp.where(d2 == 0.0, jiota, float(N)), axis=1, keepdims=True)
    d2b = jnp.where(jiota == i1, jnp.inf, d2)
    m2 = jnp.min(d2b, axis=1, keepdims=True)
    i2 = jnp.min(jnp.where(d2b == m2, jiota, float(N)), axis=1, keepdims=True)
    idx2_ref[pl.ds(b, 1), :] = jnp.transpose(i2.astype(jnp.int32))


def _tc_main(logits, labels, logits_pred, pred_u, pos, pos_t):
    out_shapes = (
        jax.ShapeDtypeStruct((B, N), jnp.float32),
        jax.ShapeDtypeStruct((B, N), jnp.int32),
        jax.ShapeDtypeStruct((B, N), jnp.int32),
        jax.ShapeDtypeStruct((B, N), jnp.int32),
    )
    col = pl.BlockSpec((B, TI), lambda i, b: (0, i))
    return pl.pallas_call(
        _tc_main_body,
        grid=(NT, B),
        in_specs=[
            pl.BlockSpec((1, C, TI), lambda i, b: (b, 0, i)),
            col,
            col,
            pl.BlockSpec((1, C, TI), lambda i, b: (b, 0, i)),
            pl.BlockSpec((1, TI, 3), lambda i, b: (b, i, 0)),
            pl.BlockSpec((1, 3, N), lambda i, b: (b, 0, 0)),
        ],
        out_specs=(col, col, col, col),
        out_shape=out_shapes,
    )(logits, labels, logits_pred, pred_u, pos, pos_t)


def _sc_gather_body(lab12_hbm, idx_hbm, mask_hbm, out_hbm,
                    lab12_v, lab12c_v, idx_v, mask_v, out_v):
    wid = lax.axis_index("s") * NC + lax.axis_index("c")
    b = wid // 4
    q = wid % 4
    base = q * CHUNK

    pltpu.sync_copy(lab12_hbm.at[b], lab12_v)
    pltpu.sync_copy(lab12_hbm.at[b, pl.ds(base, CHUNK)], lab12c_v)
    pltpu.sync_copy(idx_hbm.at[b, pl.ds(base, CHUNK)], idx_v)
    pltpu.sync_copy(mask_hbm.at[b, pl.ds(base, CHUNK)], mask_v)

    for i in range(CHUNK // LANES):
        sl = pl.ds(i * LANES, LANES)
        g12 = plsc.load_gather(lab12_v, [idx_v[sl]])
        mine = lab12c_v[sl]
        swp = (mine & 15) * 16 + (mine >> 4)
        m = mask_v[sl]
        topk = (swp == g12) & ((m & 1) != 0)
        fin = ((m >> 1) != 0) | topk
        out_v[sl] = fin.astype(jnp.int32) * 2 + topk.astype(jnp.int32)

    pltpu.sync_copy(out_v, out_hbm.at[b, pl.ds(base, CHUNK)])


def _sc_gather(lab12, idx2, mask):
    mesh = plsc.VectorSubcoreMesh(core_axis_name="c", subcore_axis_name="s")
    kern = pl.kernel(
        _sc_gather_body,
        out_type=jax.ShapeDtypeStruct((B, N), jnp.int32),
        mesh=mesh,
        compiler_params=pltpu.CompilerParams(needs_layout_passes=False),
        scratch_types=[
            pltpu.VMEM((N,), jnp.int32),
            pltpu.VMEM((CHUNK,), jnp.int32),
            pltpu.VMEM((CHUNK,), jnp.int32),
            pltpu.VMEM((CHUNK,), jnp.int32),
            pltpu.VMEM((CHUNK,), jnp.int32),
        ],
    )
    return kern(lab12, idx2, mask)


def _tc_loss_body(s_ref, packed_ref, loss_ref):
    s = s_ref[...]
    m = ((packed_ref[...] >> 1) & 1).astype(jnp.float32)
    num = jnp.sum(s * m)
    den = float(C) * jnp.sum(m) + 0.001
    loss_ref[...] = (num / den).reshape(1, 1)


def _tc_loss(s, packed):
    return pl.pallas_call(
        _tc_loss_body,
        in_specs=[
            pl.BlockSpec((B, N), lambda: (0, 0)),
            pl.BlockSpec((B, N), lambda: (0, 0)),
        ],
        out_specs=pl.BlockSpec((1, 1), lambda: (0, 0)),
        out_shape=jax.ShapeDtypeStruct((1, 1), jnp.float32),
    )(s, packed)


@jax.jit
def kernel(logits, labels, logits_pred, pred_u, pos):
    pos_t = jnp.transpose(pos, (0, 2, 1))
    s, lab12, mask, idx2 = _tc_main(
        logits, labels.astype(jnp.int32), logits_pred, pred_u, pos, pos_t)

    packed = _sc_gather(lab12, idx2, mask)

    loss = _tc_loss(s, packed)[0, 0]
    fin = ((packed >> 1) & 1).astype(jnp.bool_)
    topk = (packed & 1).astype(jnp.bool_)
    return (loss, fin, topk)

# --- scband reference (transcript-rebuilt; emitter-appended) ---
"""Pipeline reference for scband-poly1-focal-loss-u-top2-32272384262369 (READ-ONLY COPY).

The authoritative reference and input builder live on the scoring server;
editing this copy changes nothing except your own understanding.
"""

import jax, jax.numpy as jnp
import numpy as np

EPSILON = 1.0
ALPHA = 0.25
GAMMA = 2.0
THRESH = 0.95


def setup_inputs(seed: int = 0):
    key = jax.random.key(seed)
    k1, k2, k3, k4, k5 = jax.random.split(key, 5)
    B, C, N = 8, 13, 2048
    logits = jax.random.normal(k1, (B, C, N), dtype=jnp.float32)
    labels = jax.random.randint(k2, (B, N), 0, C)
    logits_pred = jax.random.uniform(k3, (B, N), dtype=jnp.float32)
    pred_u = jax.random.uniform(k4, (B, C, N), dtype=jnp.float32)
    pos = jax.random.normal(k5, (B, N, 3), dtype=jnp.float32)
    return {"logits": logits, "labels": labels, "logits_pred": logits_pred, "pred_u": pred_u, "pos": pos}


def _bce_with_logits(logits, targets):
    return jnp.maximum(logits, 0.0) - logits * targets + jnp.log1p(jnp.exp(-jnp.abs(logits)))


def reference(logits, labels, logits_pred, pred_u, pos):
    num_classes = logits.shape[1]
    p = jax.nn.sigmoid(logits)
    # labels [B,N] -> one-hot [B,C,N] matching torch F.one_hot + transpose
    labels_oh = jnp.transpose(jax.nn.one_hot(labels, num_classes, dtype=logits.dtype), (0, 2, 1))
    ce_loss = _bce_with_logits(logits, labels_oh)
    pt = labels_oh * p + (1.0 - labels_oh) * (1.0 - p)
    FL = ce_loss * (1.0 - pt) ** GAMMA
    alpha_t = ALPHA * labels_oh + (1.0 - ALPHA) * (1.0 - labels_oh)
    FL = alpha_t * FL
    poly1 = FL + EPSILON * jnp.power(1.0 - pt, GAMMA + 1.0)
    thresh_mask = logits_pred >= THRESH
    # torch.topk(pred_u, 2, dim=1): move class dim last, top_k over it
    pu = jax.lax.stop_gradient(jnp.transpose(pred_u, (0, 2, 1)))  # [B,N,C]
    _topk, _top2_label = jax.lax.top_k(pu, 2)  # [B,N,2]
    _sum = _topk[:, :, 0] + _topk[:, :, 1]
    top2_mask = (_sum >= 0.9) & (~thresh_mask)
    label1 = _top2_label[:, :, 0].reshape(-1)
    label2 = _top2_label[:, :, 1].reshape(-1)
    # pointops.knn(pos, pos, 2): brute-force pairwise squared distances, 2 nearest (self first)
    d2 = jnp.sum((pos[:, :, None, :] - pos[:, None, :, :]) ** 2, axis=-1)  # [B,N,N]
    _, knn_idx = jax.lax.top_k(-d2, 2)  # nearest first (self), then 2nd-nearest
    top_dist_index = knn_idx[:, :, 1]  # [B,N]
    B, N = top_dist_index.shape
    factor = jnp.arange(B)[:, None]
    flat_idx = (top_dist_index + factor * N).reshape(-1)
    label1_topk = jnp.take(label1, flat_idx, axis=0)
    label2_topk = jnp.take(label2, flat_idx, axis=0)
    topk_mask = ((label1 == label2_topk) & (label2 == label1_topk)).reshape(B, N)
    topk_mask = top2_mask & topk_mask
    thresh_mask = thresh_mask | topk_mask
    new_mask = jnp.broadcast_to(thresh_mask[:, None, :], poly1.shape).astype(poly1.dtype)
    loss = jnp.sum(poly1 * new_mask) / (jnp.sum(new_mask) + 0.001)
    return (loss, thresh_mask, topk_mask)

if __name__ == "__main__":
    import jax
    _d = setup_inputs()
    print(jax.jit(kernel)(*tuple(_d.values())))

</pallas_src>

<mosaic_0001>
#map = affine_map<(d0, d1) -> (0, 0)>
module attributes {stable_mosaic.version = 14 : i64} {
  func.func @_sc_gather_body(%arg0: i32, %arg1: i32, %arg2: memref<8x2048xi32, #tpu.memory_space<hbm>>, %arg3: memref<8x2048xi32, #tpu.memory_space<hbm>>, %arg4: memref<8x2048xi32, #tpu.memory_space<hbm>>, %arg5: memref<8x2048xi32, #tpu.memory_space<hbm>>, %arg6: memref<2048xi32, #tpu.memory_space<vmem>>, %arg7: memref<512xi32, #tpu.memory_space<vmem>>, %arg8: memref<512xi32, #tpu.memory_space<vmem>>, %arg9: memref<512xi32, #tpu.memory_space<vmem>>, %arg10: memref<512xi32, #tpu.memory_space<vmem>>) attributes {dimension_semantics = [#tpu.dimension_semantics<core_parallel>, #tpu.dimension_semantics<subcore_parallel>], iteration_bounds = array<i64: 2, 16>, scalar_prefetch = 0 : i64, scratch_operands = 5 : i64, tpu.core_type = #tpu.core_type<sc_vector_subcore>, window_params = [{transform_indices = #map}, {transform_indices = #map}, {transform_indices = #map}, {transform_indices = #map}]} {
    %mul3A = arith.constant 2 : i32
    %mul3A_0 = arith.muli %arg1, %mul3A : i32
    %add3A = arith.addi %mul3A_0, %arg0 : i32
    %jit3A = arith.constant 4 : i32
    %div3A = arith.divsi %add3A, %jit3A : i32
    %sign3A = arith.constant 0 : i32
    %sign3A_1 = arith.cmpi sgt, %add3A, %sign3A : i32
    %sign3A_2 = arith.extui %sign3A_1 : i1 to i32
    %sign3A_3 = arith.constant 0 : i32
    %sign3A_4 = arith.cmpi slt, %add3A, %sign3A_3 : i32
    %sign3A_5 = arith.extui %sign3A_4 : i1 to i32
    %sign3A_6 = arith.subi %sign3A_2, %sign3A_5 : i32
    %sign3A_7 = arith.constant 0 : i32
    %sign3A_8 = arith.cmpi sgt, %jit3A, %sign3A_7 : i32
    %sign3A_9 = arith.extui %sign3A_8 : i1 to i32
    %sign3A_10 = arith.constant 0 : i32
    %sign3A_11 = arith.cmpi slt, %jit3A, %sign3A_10 : i32
    %sign3A_12 = arith.extui %sign3A_11 : i1 to i32
    %sign3A_13 = arith.subi %sign3A_9, %sign3A_12 : i32
    %ne3A = arith.cmpi ne, %sign3A_6, %sign3A_13 : i32
    %rem3A = arith.remsi %add3A, %jit3A : i32
    %ne3A_14 = arith.constant 0 : i32
    %ne3A_15 = arith.cmpi ne, %rem3A, %ne3A_14 : i32
    %and3A = arith.andi %ne3A, %ne3A_15 : i1
    %sub3A = arith.constant 1 : i32
    %sub3A_16 = arith.subi %div3A, %sub3A : i32
    %select_n3A = arith.select %and3A, %sub3A_16, %div3A : i32
    %jit3A_17 = arith.constant 4 : i32
    %eq3A = arith.constant 0 : i32
    %eq3A_18 = arith.cmpi eq, %jit3A_17, %eq3A : i32
    %jit3A_19 = arith.constant 1 : i32
    %select_n3A_20 = arith.select %eq3A_18, %jit3A_19, %jit3A_17 : i32
    %rem3A_21 = arith.remsi %add3A, %select_n3A_20 : i32
    %ne3A_22 = arith.constant 0 : i32
    %ne3A_23 = arith.cmpi ne, %rem3A_21, %ne3A_22 : i32
    %lt3A = arith.constant 0 : i32
    %lt3A_24 = arith.cmpi slt, %rem3A_21, %lt3A : i32
    %lt3A_25 = arith.constant 0 : i32
    %lt3A_26 = arith.cmpi slt, %select_n3A_20, %lt3A_25 : i32
    %ne3A_27 = arith.xori %lt3A_24, %lt3A_26 : i1
    %and3A_28 = arith.andi %ne3A_27, %ne3A_23 : i1
    %add3A_29 = arith.addi %rem3A_21, %select_n3A_20 : i32
    %select_n3A_30 = arith.select %and3A_28, %add3A_29, %rem3A_21 : i32
    %mul3A_31 = arith.constant 512 : i32
    %mul3A_32 = arith.muli %select_n3A_30, %mul3A_31 : i32
    "tpu.region"() ({
      %run_scoped3A = tpu.sem_alloc : memref<!tpu.dma_semaphore, #tpu.memory_space<semaphore_mem>>
      %dma_start3A = arith.constant 0 : i32
      %dma_start3A_1307 = tpu.memref_slice %arg2[%select_n3A, %dma_start3A] : memref<8x2048xi32, #tpu.memory_space<hbm>> -> memref<1x2048xi32, #tpu.memory_space<hbm>>
      %dma_start3A_1308 = tpu.memref_squeeze %dma_start3A_1307 : memref<1x2048xi32, #tpu.memory_space<hbm>> -> memref<2048xi32, #tpu.memory_space<hbm>>
      %dma_start3A_1309 = arith.constant 0 : i32
      %dma_start3A_1310 = tpu.memref_slice %arg2[%select_n3A, %dma_start3A_1309] : memref<8x2048xi32, #tpu.memory_space<hbm>> -> memref<1x2048xi32, #tpu.memory_space<hbm>>
      %dma_start3A_1311 = tpu.memref_squeeze %dma_start3A_1310 : memref<1x2048xi32, #tpu.memory_space<hbm>> -> memref<2048xi32, #tpu.memory_space<hbm>>
      tpu.enqueue_dma source(%dma_start3A_1311 : memref<2048xi32, #tpu.memory_space<hbm>>) target(%arg6 : memref<2048xi32, #tpu.memory_space<vmem>>) target_semaphore(%run_scoped3A : memref<!tpu.dma_semaphore, #tpu.memory_space<semaphore_mem>>)
      %dma_wait3A = arith.constant 0 : i32
      %dma_wait3A_1312 = tpu.memref_slice %arg2[%select_n3A, %dma_wait3A] : memref<8x2048xi32, #tpu.memory_space<hbm>> -> memref<1x2048xi32, #tpu.memory_space<hbm>>
      %dma_wait3A_1313 = tpu.memref_squeeze %dma_wait3A_1312 : memref<1x2048xi32, #tpu.memory_space<hbm>> -> memref<2048xi32, #tpu.memory_space<hbm>>
      %dma_wait3A_1314 = arith.constant 0 : i32
      %dma_wait3A_1315 = tpu.memref_slice %arg2[%select_n3A, %dma_wait3A_1314] : memref<8x2048xi32, #tpu.memory_space<hbm>> -> memref<1x2048xi32, #tpu.memory_space<hbm>>
      %dma_wait3A_1316 = tpu.memref_squeeze %dma_wait3A_1315 : memref<1x2048xi32, #tpu.memory_space<hbm>> -> memref<2048xi32, #tpu.memory_space<hbm>>
      tpu.wait_dma2 semaphore(%run_scoped3A : memref<!tpu.dma_semaphore, #tpu.memory_space<semaphore_mem>>) src(%dma_wait3A_1316 : memref<2048xi32, #tpu.memory_space<hbm>>) dst(%arg6 : memref<2048xi32, #tpu.memory_space<vmem>>)
      tpu.yield
    }) : () -> ()
    "tpu.region"() ({
      %run_scoped3A = tpu.sem_alloc : memref<!tpu.dma_semaphore, #tpu.memory_space<semaphore_mem>>
      %dma_start3A = tpu.memref_slice %arg2[%select_n3A, %mul3A_32] : memref<8x2048xi32, #tpu.memory_space<hbm>> -> memref<1x512xi32, #tpu.memory_space<hbm>>
      %dma_start3A_1307 = tpu.memref_squeeze %dma_start3A : memref<1x512xi32, #tpu.memory_space<hbm>> -> memref<512xi32, #tpu.memory_space<hbm>>
      %dma_start3A_1308 = tpu.memref_slice %arg2[%select_n3A, %mul3A_32] : memref<8x2048xi32, #tpu.memory_space<hbm>> -> memref<1x512xi32, #tpu.memory_space<hbm>>
      %dma_start3A_1309 = tpu.memref_squeeze %dma_start3A_1308 : memref<1x512xi32, #tpu.memory_space<hbm>> -> memref<512xi32, #tpu.memory_space<hbm>>
      tpu.enqueue_dma source(%dma_start3A_1309 : memref<512xi32, #tpu.memory_space<hbm>>) target(%arg7 : memref<512xi32, #tpu.memory_space<vmem>>) target_semaphore(%run_scoped3A : memref<!tpu.dma_semaphore, #tpu.memory_space<semaphore_mem>>)
      %dma_wait3A = tpu.memref_slice %arg2[%select_n3A, %mul3A_32] : memref<8x2048xi32, #tpu.memory_space<hbm>> -> memref<1x512xi32, #tpu.memory_space<hbm>>
      %dma_wait3A_1310 = tpu.memref_squeeze %dma_wait3A : memref<1x512xi32, #tpu.memory_space<hbm>> -> memref<512xi32, #tpu.memory_space<hbm>>
      %dma_wait3A_1311 = tpu.memref_slice %arg2[%select_n3A, %mul3A_32] : memref<8x2048xi32, #tpu.memory_space<hbm>> -> memref<1x512xi32, #tpu.memory_space<hbm>>
      %dma_wait3A_1312 = tpu.memref_squeeze %dma_wait3A_1311 : memref<1x512xi32, #tpu.memory_space<hbm>> -> memref<512xi32, #tpu.memory_space<hbm>>
      tpu.wait_dma2 semaphore(%run_scoped3A : memref<!tpu.dma_semaphore, #tpu.memory_space<semaphore_mem>>) src(%dma_wait3A_1312 : memref<512xi32, #tpu.memory_space<hbm>>) dst(%arg7 : memref<512xi32, #tpu.memory_space<vmem>>)
      tpu.yield
    }) : () -> ()
    "tpu.region"() ({
      %run_scoped3A = tpu.sem_alloc : memref<!tpu.dma_semaphore, #tpu.memory_space<semaphore_mem>>
      %dma_start3A = tpu.memref_slice %arg3[%select_n3A, %mul3A_32] : memref<8x2048xi32, #tpu.memory_space<hbm>> -> memref<1x512xi32, #tpu.memory_space<hbm>>
      %dma_start3A_1307 = tpu.memref_squeeze %dma_start3A : memref<1x512xi32, #tpu.memory_space<hbm>> -> memref<512xi32, #tpu.memory_space<hbm>>
      %dma_start3A_1308 = tpu.memref_slice %arg3[%select_n3A, %mul3A_32] : memref<8x2048xi32, #tpu.memory_space<hbm>> -> memref<1x512xi32, #tpu.memory_space<hbm>>
      %dma_start3A_1309 = tpu.memref_squeeze %dma_start3A_1308 : memref<1x512xi32, #tpu.memory_space<hbm>> -> memref<512xi32, #tpu.memory_space<hbm>>
      tpu.enqueue_dma source(%dma_start3A_1309 : memref<512xi32, #tpu.memory_space<hbm>>) target(%arg8 : memref<512xi32, #tpu.memory_space<vmem>>) target_semaphore(%run_scoped3A : memref<!tpu.dma_semaphore, #tpu.memory_space<semaphore_mem>>)
      %dma_wait3A = tpu.memref_slice %arg3[%select_n3A, %mul3A_32] : memref<8x2048xi32, #tpu.memory_space<hbm>> -> memref<1x512xi32, #tpu.memory_space<hbm>>
      %dma_wait3A_1310 = tpu.memref_squeeze %dma_wait3A : memref<1x512xi32, #tpu.memory_space<hbm>> -> memref<512xi32, #tpu.memory_space<hbm>>
      %dma_wait3A_1311 = tpu.memref_slice %arg3[%select_n3A, %mul3A_32] : memref<8x2048xi32, #tpu.memory_space<hbm>> -> memref<1x512xi32, #tpu.memory_space<hbm>>
      %dma_wait3A_1312 = tpu.memref_squeeze %dma_wait3A_1311 : memref<1x512xi32, #tpu.memory_space<hbm>> -> memref<512xi32, #tpu.memory_space<hbm>>
      tpu.wait_dma2 semaphore(%run_scoped3A : memref<!tpu.dma_semaphore, #tpu.memory_space<semaphore_mem>>) src(%dma_wait3A_1312 : memref<512xi32, #tpu.memory_space<hbm>>) dst(%arg8 : memref<512xi32, #tpu.memory_space<vmem>>)
      tpu.yield
    }) : () -> ()
    "tpu.region"() ({
      %run_scoped3A = tpu.sem_alloc : memref<!tpu.dma_semaphore, #tpu.memory_space<semaphore_mem>>
      %dma_start3A = tpu.memref_slice %arg4[%select_n3A, %mul3A_32] : memref<8x2048xi32, #tpu.memory_space<hbm>> -> memref<1x512xi32, #tpu.memory_space<hbm>>
      %dma_start3A_1307 = tpu.memref_squeeze %dma_start3A : memref<1x512xi32, #tpu.memory_space<hbm>> -> memref<512xi32, #tpu.memory_space<hbm>>
      %dma_start3A_1308 = tpu.memref_slice %arg4[%select_n3A, %mul3A_32] : memref<8x2048xi32, #tpu.memory_space<hbm>> -> memref<1x512xi32, #tpu.memory_space<hbm>>
      %dma_start3A_1309 = tpu.memref_squeeze %dma_start3A_1308 : memref<1x512xi32, #tpu.memory_space<hbm>> -> memref<512xi32, #tpu.memory_space<hbm>>
      tpu.enqueue_dma source(%dma_start3A_1309 : memref<512xi32, #tpu.memory_space<hbm>>) target(%arg9 : memref<512xi32, #tpu.memory_space<vmem>>) target_semaphore(%run_scoped3A : memref<!tpu.dma_semaphore, #tpu.memory_space<semaphore_mem>>)
      %dma_wait3A = tpu.memref_slice %arg4[%select_n3A, %mul3A_32] : memref<8x2048xi32, #tpu.memory_space<hbm>> -> memref<1x512xi32, #tpu.memory_space<hbm>>
      %dma_wait3A_1310 = tpu.memref_squeeze %dma_wait3A : memref<1x512xi32, #tpu.memory_space<hbm>> -> memref<512xi32, #tpu.memory_space<hbm>>
      %dma_wait3A_1311 = tpu.memref_slice %arg4[%select_n3A, %mul3A_32] : memref<8x2048xi32, #tpu.memory_space<hbm>> -> memref<1x512xi32, #tpu.memory_space<hbm>>
      %dma_wait3A_1312 = tpu.memref_squeeze %dma_wait3A_1311 : memref<1x512xi32, #tpu.memory_space<hbm>> -> memref<512xi32, #tpu.memory_space<hbm>>
      tpu.wait_dma2 semaphore(%run_scoped3A : memref<!tpu.dma_semaphore, #tpu.memory_space<semaphore_mem>>) src(%dma_wait3A_1312 : memref<512xi32, #tpu.memory_space<hbm>>) dst(%arg9 : memref<512xi32, #tpu.memory_space<vmem>>)
      tpu.yield
    }) : () -> ()
    %get3A = arith.constant 0 : index
    %get3A_33 = tpu.vector_load %arg8[%get3A] {strides = array<i32>} : memref<512xi32, #tpu.memory_space<vmem>>, vector<16xi32>,
    %gather3A = tpu.vector_load_idx %arg6[%get3A_33] : memref<2048xi32, #tpu.memory_space<vmem>>[vector<16xi32>], vector<16xi32>,
    %get3A_34 = arith.constant 0 : index
    %get3A_35 = tpu.vector_load %arg7[%get3A_34] {strides = array<i32>} : memref<512xi32, #tpu.memory_space<vmem>>, vector<16xi32>,
    %and3A_36 = arith.constant 15 : i32
    %and3A_37 = vector.broadcast %and3A_36 : i32 to vector<16xi32>
    %and3A_38 = arith.andi %get3A_35, %and3A_37 : vector<16xi32>
    %mul3A_39 = arith.constant 16 : i32
    %mul3A_40 = vector.broadcast %mul3A_39 : i32 to vector<16xi32>
    %mul3A_41 = arith.muli %and3A_38, %mul3A_40 : vector<16xi32>
    %shift_right_arithmetic3A = arith.constant 4 : i32
    %shift_right_arithmetic3A_42 = vector.broadcast %shift_right_arithmetic3A : i32 to vector<16xi32>
    %shift_right_arithmetic3A_43 = arith.shrsi %get3A_35, %shift_right_arithmetic3A_42 : vector<16xi32>
    %add3A_44 = arith.addi %mul3A_41, %shift_right_arithmetic3A_43 : vector<16xi32>
    %get3A_45 = arith.constant 0 : index
    %get3A_46 = tpu.vector_load %arg9[%get3A_45] {strides = array<i32>} : memref<512xi32, #tpu.memory_space<vmem>>, vector<16xi32>,
    %eq3A_47 = arith.cmpi eq, %add3A_44, %gather3A : vector<16xi32>
    %and3A_48 = arith.constant 1 : i32
    %and3A_49 = vector.broadcast %and3A_48 : i32 to vector<16xi32>
    %and3A_50 = arith.andi %get3A_46, %and3A_49 : vector<16xi32>
    %ne3A_51 = arith.constant 0 : i32
    %ne3A_52 = vector.broadcast %ne3A_51 : i32 to vector<16xi32>
    %ne3A_53 = arith.cmpi ne, %and3A_50, %ne3A_52 : vector<16xi32>
    %and3A_54 = arith.andi %eq3A_47, %ne3A_53 : vector<16xi1>
    %shift_right_arithmetic3A_55 = arith.constant 1 : i32
    %shift_right_arithmetic3A_56 = vector.broadcast %shift_right_arithmetic3A_55 : i32 to vector<16xi32>
    %shift_right_arithmetic3A_57 = arith.shrsi %get3A_46, %shift_right_arithmetic3A_56 : vector<16xi32>
    %ne3A_58 = arith.constant 0 : i32
    %ne3A_59 = vector.broadcast %ne3A_58 : i32 to vector<16xi32>
    %ne3A_60 = arith.cmpi ne, %shift_right_arithmetic3A_57, %ne3A_59 : vector<16xi32>
    %or3A = arith.ori %ne3A_60, %and3A_54 : vector<16xi1>
    %convert_element_type3A = arith.extui %or3A : vector<16xi1> to vector<16xi32>
    %mul3A_61 = arith.constant 2 : i32
    %mul3A_62 = vector.broadcast %mul3A_61 : i32 to vector<16xi32>
    %mul3A_63 = arith.muli %convert_element_type3A, %mul3A_62 : vector<16xi32>
    %convert_element_type3A_64 = arith.extui %and3A_54 : vector<16xi1> to vector<16xi32>
    %add3A_65 = arith.addi %mul3A_63, %convert_element_type3A_64 : vector<16xi32>
    %swap3A = arith.constant 0 : index
    %swap3A_66 = tpu.vector_load %arg10[%swap3A] {strides = array<i32>} : memref<512xi32, #tpu.memory_space<vmem>>, vector<16xi32>,
    tpu.vector_store %arg10[%swap3A], %add3A_65 {strides = array<i32>} : memref<512xi32, #tpu.memory_space<vmem>>, vector<16xi32>,
    %get3A_67 = arith.constant 16 : index
    %get3A_68 = tpu.vector_load %arg8[%get3A_67] {strides = array<i32>} : memref<512xi32, #tpu.memory_space<vmem>>, vector<16xi32>,
    %gather3A_69 = tpu.vector_load_idx %arg6[%get3A_68] : memref<2048xi32, #tpu.memory_space<vmem>>[vector<16xi32>], vector<16xi32>,
    %get3A_70 = arith.constant 16 : index
    %get3A_71 = tpu.vector_load %arg7[%get3A_70] {strides = array<i32>} : memref<512xi32, #tpu.memory_space<vmem>>, vector<16xi32>,
    %and3A_72 = arith.constant 15 : i32
    %and3A_73 = vector.broadcast %and3A_72 : i32 to vector<16xi32>
    %and3A_74 = arith.andi %get3A_71, %and3A_73 : vector<16xi32>
    %mul3A_75 = arith.constant 16 : i32
    %mul3A_76 = vector.broadcast %mul3A_75 : i32 to vector<16xi32>
    %mul3A_77 = arith.muli %and3A_74, %mul3A_76 : vector<16xi32>
    %shift_right_arithmetic3A_78 = arith.constant 4 : i32
    %shift_right_arithmetic3A_79 = vector.broadcast %shift_right_arithmetic3A_78 : i32 to vector<16xi32>
    %shift_right_arithmetic3A_80 = arith.shrsi %get3A_71, %shift_right_arithmetic3A_79 : vector<16xi32>
    %add3A_81 = arith.addi %mul3A_77, %shift_right_arithmetic3A_80 : vector<16xi32>
    %get3A_82 = arith.constant 16 : index
    %get3A_83 = tpu.vector_load %arg9[%get3A_82] {strides = array<i32>} : memref<512xi32, #tpu.memory_space<vmem>>, vector<16xi32>,
    %eq3A_84 = arith.cmpi eq, %add3A_81, %gather3A_69 : vector<16xi32>
    %and3A_85 = arith.constant 1 : i32
    %and3A_86 = vector.broadcast %and3A_85 : i32 to vector<16xi32>
    %and3A_87 = arith.andi %get3A_83, %and3A_86 : vector<16xi32>
    %ne3A_88 = arith.constant 0 : i32
    %ne3A_89 = vector.broadcast %ne3A_88 : i32 to vector<16xi32>
    %ne3A_90 = arith.cmpi ne, %and3A_87, %ne3A_89 : vector<16xi32>
    %and3A_91 = arith.andi %eq3A_84, %ne3A_90 : vector<16xi1>
    %shift_right_arithmetic3A_92 = arith.constant 1 : i32
    %shift_right_arithmetic3A_93 = vector.broadcast %shift_right_arithmetic3A_92 : i32 to vector<16xi32>
    %shift_right_arithmetic3A_94 = arith.shrsi %get3A_83, %shift_right_arithmetic3A_93 : vector<16xi32>
    %ne3A_95 = arith.constant 0 : i32
    %ne3A_96 = vector.broadcast %ne3A_95 : i32 to vector<16xi32>
    %ne3A_97 = arith.cmpi ne, %shift_right_arithmetic3A_94, %ne3A_96 : vector<16xi32>
    %or3A_98 = arith.ori %ne3A_97, %and3A_91 : vector<16xi1>
    %convert_element_type3A_99 = arith.extui %or3A_98 : vector<16xi1> to vector<16xi32>
    %mul3A_100 = arith.constant 2 : i32
    %mul3A_101 = vector.broadcast %mul3A_100 : i32 to vector<16xi32>
    %mul3A_102 = arith.muli %convert_element_type3A_99, %mul3A_101 : vector<16xi32>
    %convert_element_type3A_103 = arith.extui %and3A_91 : vector<16xi1> to vector<16xi32>
    %add3A_104 = arith.addi %mul3A_102, %convert_element_type3A_103 : vector<16xi32>
    %swap3A_105 = arith.constant 16 : index
    %swap3A_106 = tpu.vector_load %arg10[%swap3A_105] {strides = array<i32>} : memref<512xi32, #tpu.memory_space<vmem>>, vector<16xi32>,
    tpu.vector_store %arg10[%swap3A_105], %add3A_104 {strides = array<i32>} : memref<512xi32, #tpu.memory_space<vmem>>, vector<16xi32>,
    %get3A_107 = arith.constant 32 : index
    %get3A_108 = tpu.vector_load %arg8[%get3A_107] {strides = array<i32>} : memref<512xi32, #tpu.memory_space<vmem>>, vector<16xi32>,
    %gather3A_109 = tpu.vector_load_idx %arg6[%get3A_108] : memref<2048xi32, #tpu.memory_space<vmem>>[vector<16xi32>], vector<16xi32>,
    %get3A_110 = arith.constant 32 : index
    %get3A_111 = tpu.vector_load %arg7[%get3A_110] {strides = array<i32>} : memref<512xi32, #tpu.memory_space<vmem>>, vector<16xi32>,
    %and3A_112 = arith.constant 15 : i32
    %and3A_113 = vector.broadcast %and3A_112 : i32 to vector<16xi32>
    %and3A_114 = arith.andi %get3A_111, %and3A_113 : vector<16xi32>
    %mul3A_115 = arith.constant 16 : i32
    %mul3A_116 = vector.broadcast %mul3A_115 : i32 to vector<16xi32>
    %mul3A_117 = arith.muli %and3A_114, %mul3A_116 : vector<16xi32>
    %shift_right_arithmetic3A_118 = arith.constant 4 : i32
    %shift_right_arithmetic3A_119 = vector.broadcast %shift_right_arithmetic3A_118 : i32 to vector<16xi32>
    %shift_right_arithmetic3A_120 = arith.shrsi %get3A_111, %shift_right_arithmetic3A_119 : vector<16xi32>
    %add3A_121 = arith.addi %mul3A_117, %shift_right_arithmetic3A_120 : vector<16xi32>
    %get3A_122 = arith.constant 32 : index
    %get3A_123 = tpu.vector_load %arg9[%get3A_122] {strides = array<i32>} : memref<512xi32, #tpu.memory_space<vmem>>, vector<16xi32>,
    %eq3A_124 = arith.cmpi eq, %add3A_121, %gather3A_109 : vector<16xi32>
    %and3A_125 = arith.constant 1 : i32
    %and3A_126 = vector.broadcast %and3A_125 : i32 to vector<16xi32>
    %and3A_127 = arith.andi %get3A_123, %and3A_126 : vector<16xi32>
    %ne3A_128 = arith.constant 0 : i32
    %ne3A_129 = vector.broadcast %ne3A_128 : i32 to vector<16xi32>
    %ne3A_130 = arith.cmpi ne, %and3A_127, %ne3A_129 : vector<16xi32>
    %and3A_131 = arith.andi %eq3A_124, %ne3A_130 : vector<16xi1>
    %shift_right_arithmetic3A_132 = arith.constant 1 : i32
    %shift_right_arithmetic3A_133 = vector.broadcast %shift_right_arithmetic3A_132 : i32 to vector<16xi32>
    %shift_right_arithmetic3A_134 = arith.shrsi %get3A_123, %shift_right_arithmetic3A_133 : vector<16xi32>
    %ne3A_135 = arith.constant 0 : i32
    %ne3A_136 = vector.broadcast %ne3A_135 : i32 to vector<16xi32>
    %ne3A_137 = arith.cmpi ne, %shift_right_arithmetic3A_134, %ne3A_136 : vector<16xi32>
    %or3A_138 = arith.ori %ne3A_137, %and3A_131 : vector<16xi1>
    %convert_element_type3A_139 = arith.extui %or3A_138 : vector<16xi1> to vector<16xi32>
    %mul3A_140 = arith.constant 2 : i32
    %mul3A_141 = vector.broadcast %mul3A_140 : i32 to vector<16xi32>
    %mul3A_142 = arith.muli %convert_element_type3A_139, %mul3A_141 : vector<16xi32>
    %convert_element_type3A_143 = arith.extui %and3A_131 : vector<16xi1> to vector<16xi32>
    %add3A_144 = arith.addi %mul3A_142, %convert_element_type3A_143 : vector<16xi32>
    %swap3A_145 = arith.constant 32 : index
    %swap3A_146 = tpu.vector_load %arg10[%swap3A_145] {strides = array<i32>} : memref<512xi32, #tpu.memory_space<vmem>>, vector<16xi32>,
    tpu.vector_store %arg10[%swap3A_145], %add3A_144 {strides = array<i32>} : memref<512xi32, #tpu.memory_space<vmem>>, vector<16xi32>,
    %get3A_147 = arith.constant 48 : index
    %get3A_148 = tpu.vector_load %arg8[%get3A_147] {strides = array<i32>} : memref<512xi32, #tpu.memory_space<vmem>>, vector<16xi32>,
    %gather3A_149 = tpu.vector_load_idx %arg6[%get3A_148] : memref<2048xi32, #tpu.memory_space<vmem>>[vector<16xi32>], vector<16xi32>,
    %get3A_150 = arith.constant 48 : index
    %get3A_151 = tpu.vector_load %arg7[%get3A_150] {strides = array<i32>} : memref<512xi32, #tpu.memory_space<vmem>>, vector<16xi32>,
    %and3A_152 = arith.constant 15 : i32
    %and3A_153 = vector.broadcast %and3A_152 : i32 to vector<16xi32>
    %and3A_154 = arith.andi %get3A_151, %and3A_153 : vector<16xi32>
    %mul3A_155 = arith.constant 16 : i32
    %mul3A_156 = vector.broadcast %mul3A_155 : i32 to vector<16xi32>
    %mul3A_157 = arith.muli %and3A_154, %mul3A_156 : vector<16xi32>
    %shift_right_arithmetic3A_158 = arith.constant 4 : i32
    %shift_right_arithmetic3A_159 = vector.broadcast %shift_right_arithmetic3A_158 : i32 to vector<16xi32>
    %shift_right_arithmetic3A_160 = arith.shrsi %get3A_151, %shift_right_arithmetic3A_159 : vector<16xi32>
    %add3A_161 = arith.addi %mul3A_157, %shift_right_arithmetic3A_160 : vector<16xi32>
    %get3A_162 = arith.constant 48 : index
    %get3A_163 = tpu.vector_load %arg9[%get3A_162] {strides = array<i32>} : memref<512xi32, #tpu.memory_space<vmem>>, vector<16xi32>,
    %eq3A_164 = arith.cmpi eq, %add3A_161, %gather3A_149 : vector<16xi32>
    %and3A_165 = arith.constant 1 : i32
    %and3A_166 = vector.broadcast %and3A_165 : i32 to vector<16xi32>
    %and3A_167 = arith.andi %get3A_163, %and3A_166 : vector<16xi32>
    %ne3A_168 = arith.constant 0 : i32
    %ne3A_169 = vector.broadcast %ne3A_168 : i32 to vector<16xi32>
    %ne3A_170 = arith.cmpi ne, %and3A_167, %ne3A_169 : vector<16xi32>
    %and3A_171 = arith.andi %eq3A_164, %ne3A_170 : vector<16xi1>
    %shift_right_arithmetic3A_172 = arith.constant 1 : i32
    %shift_right_arithmetic3A_173 = vector.broadcast %shift_right_arithmetic3A_172 : i32 to vector<16xi32>
    %shift_right_arithmetic3A_174 = arith.shrsi %get3A_163, %shift_right_arithmetic3A_173 : vector<16xi32>
    %ne3A_175 = arith.constant 0 : i32
    %ne3A_176 = vector.broadcast %ne3A_175 : i32 to vector<16xi32>
    %ne3A_177 = arith.cmpi ne, %shift_right_arithmetic3A_174, %ne3A_176 : vector<16xi32>
    %or3A_178 = arith.ori %ne3A_177, %and3A_171 : vector<16xi1>
    %convert_element_type3A_179 = arith.extui %or3A_178 : vector<16xi1> to vector<16xi32>
    %mul3A_180 = arith.constant 2 : i32
    %mul3A_181 = vector.broadcast %mul3A_180 : i32 to vector<16xi32>
    %mul3A_182 = arith.muli %convert_element_type3A_179, %mul3A_181 : vector<16xi32>
    %convert_element_type3A_183 = arith.extui %and3A_171 : vector<16xi1> to vector<16xi32>
    %add3A_184 = arith.addi %mul3A_182, %convert_element_type3A_183 : vector<16xi32>
    %swap3A_185 = arith.constant 48 : index
    %swap3A_186 = tpu.vector_load %arg10[%swap3A_185] {strides = array<i32>} : memref<512xi32, #tpu.memory_space<vmem>>, vector<16xi32>,
    tpu.vector_store %arg10[%swap3A_185], %add3A_184 {strides = array<i32>} : memref<512xi32, #tpu.memory_space<vmem>>, vector<16xi32>,
    %get3A_187 = arith.constant 64 : index
    %get3A_188 = tpu.vector_load %arg8[%get3A_187] {strides = array<i32>} : memref<512xi32, #tpu.memory_space<vmem>>, vector<16xi32>,
    %gather3A_189 = tpu.vector_load_idx %arg6[%get3A_188] : memref<2048xi32, #tpu.memory_space<vmem>>[vector<16xi32>], vector<16xi32>,
    %get3A_190 = arith.constant 64 : index
    %get3A_191 = tpu.vector_load %arg7[%get3A_190] {strides = array<i32>} : memref<512xi32, #tpu.memory_space<vmem>>, vector<16xi32>,
    %and3A_192 = arith.constant 15 : i32
    %and3A_193 = vector.broadcast %and3A_192 : i32 to vector<16xi32>
    %and3A_194 = arith.andi %get3A_191, %and3A_193 : vector<16xi32>
    %mul3A_195 = arith.constant 16 : i32
    %mul3A_196 = vector.broadcast %mul3A_195 : i32 to vector<16xi32>
    %mul3A_197 = arith.muli %and3A_194, %mul3A_196 : vector<16xi32>
    %shift_right_arithmetic3A_198 = arith.constant 4 : i32
    %shift_right_arithmetic3A_199 = vector.broadcast %shift_right_arithmetic3A_198 : i32 to vector<16xi32>
    %shift_right_arithmetic3A_200 = arith.shrsi %get3A_191, %shift_right_arithmetic3A_199 : vector<16xi32>
    %add3A_201 = arith.addi %mul3A_197, %shift_right_arithmetic3A_200 : vector<16xi32>
    %get3A_202 = arith.constant 64 : index
    %get3A_203 = tpu.vector_load %arg9[%get3A_202] {strides = array<i32>} : memref<512xi32, #tpu.memory_space<vmem>>, vector<16xi32>,
    %eq3A_204 = arith.cmpi eq, %add3A_201, %gather3A_189 : vector<16xi32>
    %and3A_205 = arith.constant 1 : i32
    %and3A_206 = vector.broadcast %and3A_205 : i32 to vector<16xi32>
    %and3A_207 = arith.andi %get3A_203, %and3A_206 : vector<16xi32>
    %ne3A_208 = arith.constant 0 : i32
    %ne3A_209 = vector.broadcast %ne3A_208 : i32 to vector<16xi32>
    %ne3A_210 = arith.cmpi ne, %and3A_207, %ne3A_209 : vector<16xi32>
    %and3A_211 = arith.andi %eq3A_204, %ne3A_210 : vector<16xi1>
    %shift_right_arithmetic3A_212 = arith.constant 1 : i32
    %shift_right_arithmetic3A_213 = vector.broadcast %shift_right_arithmetic3A_212 : i32 to vector<16xi32>
    %shift_right_arithmetic3A_214 = arith.shrsi %get3A_203, %shift_right_arithmetic3A_213 : vector<16xi32>
    %ne3A_215 = arith.constant 0 : i32
    %ne3A_216 = vector.broadcast %ne3A_215 : i32 to vector<16xi32>
    %ne3A_217 = arith.cmpi ne, %shift_right_arithmetic3A_214, %ne3A_216 : vector<16xi32>
    %or3A_218 = arith.ori %ne3A_217, %and3A_211 : vector<16xi1>
    %convert_element_type3A_219 = arith.extui %or3A_218 : vector<16xi1> to vector<16xi32>
    %mul3A_220 = arith.constant 2 : i32
    %mul3A_221 = vector.broadcast %mul3A_220 : i32 to vector<16xi32>
    %mul3A_222 = arith.muli %convert_element_type3A_219, %mul3A_221 : vector<16xi32>
    %convert_element_type3A_223 = arith.extui %and3A_211 : vector<16xi1> to vector<16xi32>
    %add3A_224 = arith.addi %mul3A_222, %convert_element_type3A_223 : vector<16xi32>
    %swap3A_225 = arith.constant 64 : index
    %swap3A_226 = tpu.vector_load %arg10[%swap3A_225] {strides = array<i32>} : memref<512xi32, #tpu.memory_space<vmem>>, vector<16xi32>,
    tpu.vector_store %arg10[%swap3A_225], %add3A_224 {strides = array<i32>} : memref<512xi32, #tpu.memory_space<vmem>>, vector<16xi32>,
    %get3A_227 = arith.constant 80 : index
    %get3A_228 = tpu.vector_load %arg8[%get3A_227] {strides = array<i32>} : memref<512xi32, #tpu.memory_space<vmem>>, vector<16xi32>,
    %gather3A_229 = tpu.vector_load_idx %arg6[%get3A_228] : memref<2048xi32, #tpu.memory_space<vmem>>[vector<16xi32>], vector<16xi32>,
    %get3A_230 = arith.constant 80 : index
    %get3A_231 = tpu.vector_load %arg7[%get3A_230] {strides = array<i32>} : memref<512xi32, #tpu.memory_space<vmem>>, vector<16xi32>,
    %and3A_232 = arith.constant 15 : i32
    %and3A_233 = vector.broadcast %and3A_232 : i32 to vector<16xi32>
    %and3A_234 = arith.andi %get3A_231, %and3A_233 : vector<16xi32>
    %mul3A_235 = arith.constant 16 : i32
    %mul3A_236 = vector.broadcast %mul3A_235 : i32 to vector<16xi32>
    %mul3A_237 = arith.muli %and3A_234, %mul3A_236 : vector<16xi32>
    %shift_right_arithmetic3A_238 = arith.constant 4 : i32
    %shift_right_arithmetic3A_239 = vector.broadcast %shift_right_arithmetic3A_238 : i32 to vector<16xi32>
    %shift_right_arithmetic3A_240 = arith.shrsi %get3A_231, %shift_right_arithmetic3A_239 : vector<16xi32>
    %add3A_241 = arith.addi %mul3A_237, %shift_right_arithmetic3A_240 : vector<16xi32>
    %get3A_242 = arith.constant 80 : index
    %get3A_243 = tpu.vector_load %arg9[%get3A_242] {strides = array<i32>} : memref<512xi32, #tpu.memory_space<vmem>>, vector<16xi32>,
    %eq3A_244 = arith.cmpi eq, %add3A_241, %gather3A_229 : vector<16xi32>
    %and3A_245 = arith.constant 1 : i32
    %and3A_246 = vector.broadcast %and3A_245 : i32 to vector<16xi32>
    %and3A_247 = arith.andi %get3A_243, %and3A_246 : vector<16xi32>
    %ne3A_248 = arith.constant 0 : i32
    %ne3A_249 = vector.broadcast %ne3A_248 : i32 to vector<16xi32>
    %ne3A_250 = arith.cmpi ne, %and3A_247, %ne3A_249 : vector<16xi32>
    %and3A_251 = arith.andi %eq3A_244, %ne3A_250 : vector<16xi1>
    %shift_right_arithmetic3A_252 = arith.constant 1 : i32
    %shift_right_arithmetic3A_253 = vector.broadcast %shift_right_arithmetic3A_252 : i32 to vector<16xi32>
    %shift_right_arithmetic3A_254 = arith.shrsi %get3A_243, %shift_right_arithmetic3A_253 : vector<16xi32>
    %ne3A_255 = arith.constant 0 : i32
    %ne3A_256 = vector.broadcast %ne3A_255 : i32 to vector<16xi32>
    %ne3A_257 = arith.cmpi ne, %shift_right_arithmetic3A_254, %ne3A_256 : vector<16xi32>
    %or3A_258 = arith.ori %ne3A_257, %and3A_251 : vector<16xi1>
    %convert_element_type3A_259 = arith.extui %or3A_258 : vector<16xi1> to vector<16xi32>
    %mul3A_260 = arith.constant 2 : i32
    %mul3A_261 = vector.broadcast %mul3A_260 : i32 to vector<16xi32>
    %mul3A_262 = arith.muli %convert_element_type3A_259, %mul3A_261 : vector<16xi32>
    %convert_element_type3A_263 = arith.extui %and3A_251 : vector<16xi1> to vector<16xi32>
    %add3A_264 = arith.addi %mul3A_262, %convert_element_type3A_263 : vector<16xi32>
    %swap3A_265 = arith.constant 80 : index
    %swap3A_266 = tpu.vector_load %arg10[%swap3A_265] {strides = array<i32>} : memref<512xi32, #tpu.memory_space<vmem>>, vector<16xi32>,
    tpu.vector_store %arg10[%swap3A_265], %add3A_264 {strides = array<i32>} : memref<512xi32, #tpu.memory_space<vmem>>, vector<16xi32>,
    %get3A_267 = arith.constant 96 : index
    %get3A_268 = tpu.vector_load %arg8[%get3A_267] {strides = array<i32>} : memref<512xi32, #tpu.memory_space<vmem>>, vector<16xi32>,
    %gather3A_269 = tpu.vector_load_idx %arg6[%get3A_268] : memref<2048xi32, #tpu.memory_space<vmem>>[vector<16xi32>], vector<16xi32>,
    %get3A_270 = arith.constant 96 : index
    %get3A_271 = tpu.vector_load %arg7[%get3A_270] {strides = array<i32>} : memref<512xi32, #tpu.memory_space<vmem>>, vector<16xi32>,
    %and3A_272 = arith.constant 15 : i32
    %and3A_273 = vector.broadcast %and3A_272 : i32 to vector<16xi32>
    %and3A_274 = arith.andi %get3A_271, %and3A_273 : vector<16xi32>
    %mul3A_275 = arith.constant 16 : i32
    %mul3A_276 = vector.broadcast %mul3A_275 : i32 to vector<16xi32>
    %mul3A_277 = arith.muli %and3A_274, %mul3A_276 : vector<16xi32>
    %shift_right_arithmetic3A_278 = arith.constant 4 : i32
    %shift_right_arithmetic3A_279 = vector.broadcast %shift_right_arithmetic3A_278 : i32 to vector<16xi32>
    %shift_right_arithmetic3A_280 = arith.shrsi %get3A_271, %shift_right_arithmetic3A_279 : vector<16xi32>
    %add3A_281 = arith.addi %mul3A_277, %shift_right_arithmetic3A_280 : vector<16xi32>
    %get3A_282 = arith.constant 96 : index
    %get3A_283 = tpu.vector_load %arg9[%get3A_282] {strides = array<i32>} : memref<512xi32, #tpu.memory_space<vmem>>, vector<16xi32>,
    %eq3A_284 = arith.cmpi eq, %add3A_281, %gather3A_269 : vector<16xi32>
    %and3A_285 = arith.constant 1 : i32
    %and3A_286 = vector.broadcast %and3A_285 : i32 to vector<16xi32>
    %and3A_287 = arith.andi %get3A_283, %and3A_286 : vector<16xi32>
    %ne3A_288 = arith.constant 0 : i32
    %ne3A_289 = vector.broadcast %ne3A_288 : i32 to vector<16xi32>
    %ne3A_290 = arith.cmpi ne, %and3A_287, %ne3A_289 : vector<16xi32>
    %and3A_291 = arith.andi %eq3A_284, %ne3A_290 : vector<16xi1>
    %shift_right_arithmetic3A_292 = arith.constant 1 : i32
    %shift_right_arithmetic3A_293 = vector.broadcast %shift_right_arithmetic3A_292 : i32 to vector<16xi32>
    %shift_right_arithmetic3A_294 = arith.shrsi %get3A_283, %shift_right_arithmetic3A_293 : vector<16xi32>
    %ne3A_295 = arith.constant 0 : i32
    %ne3A_296 = vector.broadcast %ne3A_295 : i32 to vector<16xi32>
    %ne3A_297 = arith.cmpi ne, %shift_right_arithmetic3A_294, %ne3A_296 : vector<16xi32>
    %or3A_298 = arith.ori %ne3A_297, %and3A_291 : vector<16xi1>
    %convert_element_type3A_299 = arith.extui %or3A_298 : vector<16xi1> to vector<16xi32>
    %mul3A_300 = arith.constant 2 : i32
    %mul3A_301 = vector.broadcast %mul3A_300 : i32 to vector<16xi32>
    %mul3A_302 = arith.muli %convert_element_type3A_299, %mul3A_301 : vector<16xi32>
    %convert_element_type3A_303 = arith.extui %and3A_291 : vector<16xi1> to vector<16xi32>
    %add3A_304 = arith.addi %mul3A_302, %convert_element_type3A_303 : vector<16xi32>
    %swap3A_305 = arith.constant 96 : index
    %swap3A_306 = tpu.vector_load %arg10[%swap3A_305] {strides = array<i32>} : memref<512xi32, #tpu.memory_space<vmem>>, vector<16xi32>,
    tpu.vector_store %arg10[%swap3A_305], %add3A_304 {strides = array<i32>} : memref<512xi32, #tpu.memory_space<vmem>>, vector<16xi32>,
    %get3A_307 = arith.constant 112 : index
    %get3A_308 = tpu.vector_load %arg8[%get3A_307] {strides = array<i32>} : memref<512xi32, #tpu.memory_space<vmem>>, vector<16xi32>,
    %gather3A_309 = tpu.vector_load_idx %arg6[%get3A_308] : memref<2048xi32, #tpu.memory_space<vmem>>[vector<16xi32>], vector<16xi32>,
    %get3A_310 = arith.constant 112 : index
    %get3A_311 = tpu.vector_load %arg7[%get3A_310] {strides = array<i32>} : memref<512xi32, #tpu.memory_space<vmem>>, vector<16xi32>,
    %and3A_312 = arith.constant 15 : i32
    %and3A_313 = vector.broadcast %and3A_312 : i32 to vector<16xi32>
    %and3A_314 = arith.andi %get3A_311, %and3A_313 : vector<16xi32>
    %mul3A_315 = arith.constant 16 : i32
    %mul3A_316 = vector.broadcast %mul3A_315 : i32 to vector<16xi32>
    %mul3A_317 = arith.muli %and3A_314, %mul3A_316 : vector<16xi32>
    %shift_right_arithmetic3A_318 = arith.constant 4 : i32
    %shift_right_arithmetic3A_319 = vector.broadcast %shift_right_arithmetic3A_318 : i32 to vector<16xi32>
    %shift_right_arithmetic3A_320 = arith.shrsi %get3A_311, %shift_right_arithmetic3A_319 : vector<16xi32>
    %add3A_321 = arith.addi %mul3A_317, %shift_right_arithmetic3A_320 : vector<16xi32>
    %get3A_322 = arith.constant 112 : index
    %get3A_323 = tpu.vector_load %arg9[%get3A_322] {strides = array<i32>} : memref<512xi32, #tpu.memory_space<vmem>>, vector<16xi32>,
    %eq3A_324 = arith.cmpi eq, %add3A_321, %gather3A_309 : vector<16xi32>
    %and3A_325 = arith.constant 1 : i32
    %and3A_326 = vector.broadcast %and3A_325 : i32 to vector<16xi32>
    %and3A_327 = arith.andi %get3A_323, %and3A_326 : vector<16xi32>
    %ne3A_328 = arith.constant 0 : i32
    %ne3A_329 = vector.broadcast %ne3A_328 : i32 to vector<16xi32>
    %ne3A_330 = arith.cmpi ne, %and3A_327, %ne3A_329 : vector<16xi32>
    %and3A_331 = arith.andi %eq3A_324, %ne3A_330 : vector<16xi1>
    %shift_right_arithmetic3A_332 = arith.constant 1 : i32
    %shift_right_arithmetic3A_333 = vector.broadcast %shift_right_arithmetic3A_332 : i32 to vector<16xi32>
    %shift_right_arithmetic3A_334 = arith.shrsi %get3A_323, %shift_right_arithmetic3A_333 : vector<16xi32>
    %ne3A_335 = arith.constant 0 : i32
    %ne3A_336 = vector.broadcast %ne3A_335 : i32 to vector<16xi32>
    %ne3A_337 = arith.cmpi ne, %shift_right_arithmetic3A_334, %ne3A_336 : vector<16xi32>
    %or3A_338 = arith.ori %ne3A_337, %and3A_331 : vector<16xi1>
    %convert_element_type3A_339 = arith.extui %or3A_338 : vector<16xi1> to vector<16xi32>
    %mul3A_340 = arith.constant 2 : i32
    %mul3A_341 = vector.broadcast %mul3A_340 : i32 to vector<16xi32>
    %mul3A_342 = arith.muli %convert_element_type3A_339, %mul3A_341 : vector<16xi32>
    %convert_element_type3A_343 = arith.extui %and3A_331 : vector<16xi1> to vector<16xi32>
    %add3A_344 = arith.addi %mul3A_342, %convert_element_type3A_343 : vector<16xi32>
    %swap3A_345 = arith.constant 112 : index
    %swap3A_346 = tpu.vector_load %arg10[%swap3A_345] {strides = array<i32>} : memref<512xi32, #tpu.memory_space<vmem>>, vector<16xi32>,
    tpu.vector_store %arg10[%swap3A_345], %add3A_344 {strides = array<i32>} : memref<512xi32, #tpu.memory_space<vmem>>, vector<16xi32>,
    %get3A_347 = arith.constant 128 : index
    %get3A_348 = tpu.vector_load %arg8[%get3A_347] {strides = array<i32>} : memref<512xi32, #tpu.memory_space<vmem>>, vector<16xi32>,
    %gather3A_349 = tpu.vector_load_idx %arg6[%get3A_348] : memref<2048xi32, #tpu.memory_space<vmem>>[vector<16xi32>], vector<16xi32>,
    %get3A_350 = arith.constant 128 : index
    %get3A_351 = tpu.vector_load %arg7[%get3A_350] {strides = array<i32>} : memref<512xi32, #tpu.memory_space<vmem>>, vector<16xi32>,
    %and3A_352 = arith.constant 15 : i32
    %and3A_353 = vector.broadcast %and3A_352 : i32 to vector<16xi32>
    %and3A_354 = arith.andi %get3A_351, %and3A_353 : vector<16xi32>
    %mul3A_355 = arith.constant 16 : i32
    %mul3A_356 = vector.broadcast %mul3A_355 : i32 to vector<16xi32>
    %mul3A_357 = arith.muli %and3A_354, %mul3A_356 : vector<16xi32>
    %shift_right_arithmetic3A_358 = arith.constant 4 : i32
    %shift_right_arithmetic3A_359 = vector.broadcast %shift_right_arithmetic3A_358 : i32 to vector<16xi32>
    %shift_right_arithmetic3A_360 = arith.shrsi %get3A_351, %shift_right_arithmetic3A_359 : vector<16xi32>
    %add3A_361 = arith.addi %mul3A_357, %shift_right_arithmetic3A_360 : vector<16xi32>
    %get3A_362 = arith.constant 128 : index
    %get3A_363 = tpu.vector_load %arg9[%get3A_362] {strides = array<i32>} : memref<512xi32, #tpu.memory_space<vmem>>, vector<16xi32>,
    %eq3A_364 = arith.cmpi eq, %add3A_361, %gather3A_349 : vector<16xi32>
    %and3A_365 = arith.constant 1 : i32
    %and3A_366 = vector.broadcast %and3A_365 : i32 to vector<16xi32>
    %and3A_367 = arith.andi %get3A_363, %and3A_366 : vector<16xi32>
    %ne3A_368 = arith.constant 0 : i32
    %ne3A_369 = vector.broadcast %ne3A_368 : i32 to vector<16xi32>
    %ne3A_370 = arith.cmpi ne, %and3A_367, %ne3A_369 : vector<16xi32>
    %and3A_371 = arith.andi %eq3A_364, %ne3A_370 : vector<16xi1>
    %shift_right_arithmetic3A_372 = arith.constant 1 : i32
    %shift_right_arithmetic3A_373 = vector.broadcast %shift_right_arithmetic3A_372 : i32 to vector<16xi32>
    %shift_right_arithmetic3A_374 = arith.shrsi %get3A_363, %shift_right_arithmetic3A_373 : vector<16xi32>
    %ne3A_375 = arith.constant 0 : i32
    %ne3A_376 = vector.broadcast %ne3A_375 : i32 to vector<16xi32>
    %ne3A_377 = arith.cmpi ne, %shift_right_arithmetic3A_374, %ne3A_376 : vector<16xi32>
    %or3A_378 = arith.ori %ne3A_377, %and3A_371 : vector<16xi1>
    %convert_element_type3A_379 = arith.extui %or3A_378 : vector<16xi1> to vector<16xi32>
    %mul3A_380 = arith.constant 2 : i32
    %mul3A_381 = vector.broadcast %mul3A_380 : i32 to vector<16xi32>
    %mul3A_382 = arith.muli %convert_element_type3A_379, %mul3A_381 : vector<16xi32>
    %convert_element_type3A_383 = arith.extui %and3A_371 : vector<16xi1> to vector<16xi32>
    %add3A_384 = arith.addi %mul3A_382, %convert_element_type3A_383 : vector<16xi32>
    %swap3A_385 = arith.constant 128 : index
    %swap3A_386 = tpu.vector_load %arg10[%swap3A_385] {strides = array<i32>} : memref<512xi32, #tpu.memory_space<vmem>>, vector<16xi32>,
    tpu.vector_store %arg10[%swap3A_385], %add3A_384 {strides = array<i32>} : memref<512xi32, #tpu.memory_space<vmem>>, vector<16xi32>,
    %get3A_387 = arith.constant 144 : index
    %get3A_388 = tpu.vector_load %arg8[%get3A_387] {strides = array<i32>} : memref<512xi32, #tpu.memory_space<vmem>>, vector<16xi32>,
    %gather3A_389 = tpu.vector_load_idx %arg6[%get3A_388] : memref<2048xi32, #tpu.memory_space<vmem>>[vector<16xi32>], vector<16xi32>,
    %get3A_390 = arith.constant 144 : index
    %get3A_391 = tpu.vector_load %arg7[%get3A_390] {strides = array<i32>} : memref<512xi32, #tpu.memory_space<vmem>>, vector<16xi32>,
    %and3A_392 = arith.constant 15 : i32
    %and3A_393 = vector.broadcast %and3A_392 : i32 to vector<16xi32>
    %and3A_394 = arith.andi %get3A_391, %and3A_393 : vector<16xi32>
    %mul3A_395 = arith.constant 16 : i32
    %mul3A_396 = vector.broadcast %mul3A_395 : i32 to vector<16xi32>
    %mul3A_397 = arith.muli %and3A_394, %mul3A_396 : vector<16xi32>
    %shift_right_arithmetic3A_398 = arith.constant 4 : i32
    %shift_right_arithmetic3A_399 = vector.broadcast %shift_right_arithmetic3A_398 : i32 to vector<16xi32>
    %shift_right_arithmetic3A_400 = arith.shrsi %get3A_391, %shift_right_arithmetic3A_399 : vector<16xi32>
    %add3A_401 = arith.addi %mul3A_397, %shift_right_arithmetic3A_400 : vector<16xi32>
    %get3A_402 = arith.constant 144 : index
    %get3A_403 = tpu.vector_load %arg9[%get3A_402] {strides = array<i32>} : memref<512xi32, #tpu.memory_space<vmem>>, vector<16xi32>,
    %eq3A_404 = arith.cmpi eq, %add3A_401, %gather3A_389 : vector<16xi32>
    %and3A_405 = arith.constant 1 : i32
    %and3A_406 = vector.broadcast %and3A_405 : i32 to vector<16xi32>
    %and3A_407 = arith.andi %get3A_403, %and3A_406 : vector<16xi32>
    %ne3A_408 = arith.constant 0 : i32
    %ne3A_409 = vector.broadcast %ne3A_408 : i32 to vector<16xi32>
    %ne3A_410 = arith.cmpi ne, %and3A_407, %ne3A_409 : vector<16xi32>
    %and3A_411 = arith.andi %eq3A_404, %ne3A_410 : vector<16xi1>
    %shift_right_arithmetic3A_412 = arith.constant 1 : i32
    %shift_right_arithmetic3A_413 = vector.broadcast %shift_right_arithmetic3A_412 : i32 to vector<16xi32>
    %shift_right_arithmetic3A_414 = arith.shrsi %get3A_403, %shift_right_arithmetic3A_413 : vector<16xi32>
    %ne3A_415 = arith.constant 0 : i32
    %ne3A_416 = vector.broadcast %ne3A_415 : i32 to vector<16xi32>
    %ne3A_417 = arith.cmpi ne, %shift_right_arithmetic3A_414, %ne3A_416 : vector<16xi32>
    %or3A_418 = arith.ori %ne3A_417, %and3A_411 : vector<16xi1>
    %convert_element_type3A_419 = arith.extui %or3A_418 : vector<16xi1> to vector<16xi32>
    %mul3A_420 = arith.constant 2 : i32
    %mul3A_421 = vector.broadcast %mul3A_420 : i32 to vector<16xi32>
    %mul3A_422 = arith.muli %convert_element_type3A_419, %mul3A_421 : vector<16xi32>
    %convert_element_type3A_423 = arith.extui %and3A_411 : vector<16xi1> to vector<16xi32>
    %add3A_424 = arith.addi %mul3A_422, %convert_element_type3A_423 : vector<16xi32>
    %swap3A_425 = arith.constant 144 : index
    %swap3A_426 = tpu.vector_load %arg10[%swap3A_425] {strides = array<i32>} : memref<512xi32, #tpu.memory_space<vmem>>, vector<16xi32>,
    tpu.vector_store %arg10[%swap3A_425], %add3A_424 {strides = array<i32>} : memref<512xi32, #tpu.memory_space<vmem>>, vector<16xi32>,
    %get3A_427 = arith.constant 160 : index
    %get3A_428 = tpu.vector_load %arg8[%get3A_427] {strides = array<i32>} : memref<512xi32, #tpu.memory_space<vmem>>, vector<16xi32>,
    %gather3A_429 = tpu.vector_load_idx %arg6[%get3A_428] : memref<2048xi32, #tpu.memory_space<vmem>>[vector<16xi32>], vector<16xi32>,
    %get3A_430 = arith.constant 160 : index
    %get3A_431 = tpu.vector_load %arg7[%get3A_430] {strides = array<i32>} : memref<512xi32, #tpu.memory_space<vmem>>, vector<16xi32>,
    %and3A_432 = arith.constant 15 : i32
    %and3A_433 = vector.broadcast %and3A_432 : i32 to vector<16xi32>
    %and3A_434 = arith.andi %get3A_431, %and3A_433 : vector<16xi32>
    %mul3A_435 = arith.constant 16 : i32
    %mul3A_436 = vector.broadcast %mul3A_435 : i32 to vector<16xi32>
    %mul3A_437 = arith.muli %and3A_434, %mul3A_436 : vector<16xi32>
    %shift_right_arithmetic3A_438 = arith.constant 4 : i32
    %shift_right_arithmetic3A_439 = vector.broadcast %shift_right_arithmetic3A_438 : i32 to vector<16xi32>
    %shift_right_arithmetic3A_440 = arith.shrsi %get3A_431, %shift_right_arithmetic3A_439 : vector<16xi32>
    %add3A_441 = arith.addi %mul3A_437, %shift_right_arithmetic3A_440 : vector<16xi32>
    %get3A_442 = arith.constant 160 : index
    %get3A_443 = tpu.vector_load %arg9[%get3A_442] {strides = array<i32>} : memref<512xi32, #tpu.memory_space<vmem>>, vector<16xi32>,
    %eq3A_444 = arith.cmpi eq, %add3A_441, %gather3A_429 : vector<16xi32>
    %and3A_445 = arith.constant 1 : i32
    %and3A_446 = vector.broadcast %and3A_445 : i32 to vector<16xi32>
    %and3A_447 = arith.andi %get3A_443, %and3A_446 : vector<16xi32>
    %ne3A_448 = arith.constant 0 : i32
    %ne3A_449 = vector.broadcast %ne3A_448 : i32 to vector<16xi32>
    %ne3A_450 = arith.cmpi ne, %and3A_447, %ne3A_449 : vector<16xi32>
    %and3A_451 = arith.andi %eq3A_444, %ne3A_450 : vector<16xi1>
    %shift_right_arithmetic3A_452 = arith.constant 1 : i32
    %shift_right_arithmetic3A_453 = vector.broadcast %shift_right_arithmetic3A_452 : i32 to vector<16xi32>
    %shift_right_arithmetic3A_454 = arith.shrsi %get3A_443, %shift_right_arithmetic3A_453 : vector<16xi32>
    %ne3A_455 = arith.constant 0 : i32
    %ne3A_456 = vector.broadcast %ne3A_455 : i32 to vector<16xi32>
    %ne3A_457 = arith.cmpi ne, %shift_right_arithmetic3A_454, %ne3A_456 : vector<16xi32>
    %or3A_458 = arith.ori %ne3A_457, %and3A_451 : vector<16xi1>
    %convert_element_type3A_459 = arith.extui %or3A_458 : vector<16xi1> to vector<16xi32>
    %mul3A_460 = arith.constant 2 : i32
    %mul3A_461 = vector.broadcast %mul3A_460 : i32 to vector<16xi32>
    %mul3A_462 = arith.muli %convert_element_type3A_459, %mul3A_461 : vector<16xi32>
    %convert_element_type3A_463 = arith.extui %and3A_451 : vector<16xi1> to vector<16xi32>
    %add3A_464 = arith.addi %mul3A_462, %convert_element_type3A_463 : vector<16xi32>
    %swap3A_465 = arith.constant 160 : index
    %swap3A_466 = tpu.vector_load %arg10[%swap3A_465] {strides = array<i32>} : memref<512xi32, #tpu.memory_space<vmem>>, vector<16xi32>,
    tpu.vector_store %arg10[%swap3A_465], %add3A_464 {strides = array<i32>} : memref<512xi32, #tpu.memory_space<vmem>>, vector<16xi32>,
    %get3A_467 = arith.constant 176 : index
    %get3A_468 = tpu.vector_load %arg8[%get3A_467] {strides = array<i32>} : memref<512xi32, #tpu.memory_space<vmem>>, vector<16xi32>,
    %gather3A_469 = tpu.vector_load_idx %arg6[%get3A_468] : memref<2048xi32, #tpu.memory_space<vmem>>[vector<16xi32>], vector<16xi32>,
    %get3A_470 = arith.constant 176 : index
    %get3A_471 = tpu.vector_load %arg7[%get3A_470] {strides = array<i32>} : memref<512xi32, #tpu.memory_space<vmem>>, vector<16xi32>,
    %and3A_472 = arith.constant 15 : i32
    %and3A_473 = vector.broadcast %and3A_472 : i32 to vector<16xi32>
    %and3A_474 = arith.andi %get3A_471, %and3A_473 : vector<16xi32>
    %mul3A_475 = arith.constant 16 : i32
    %mul3A_476 = vector.broadcast %mul3A_475 : i32 to vector<16xi32>
    %mul3A_477 = arith.muli %and3A_474, %mul3A_476 : vector<16xi32>
    %shift_right_arithmetic3A_478 = arith.constant 4 : i32
    %shift_right_arithmetic3A_479 = vector.broadcast %shift_right_arithmetic3A_478 : i32 to vector<16xi32>
    %shift_right_arithmetic3A_480 = arith.shrsi %get3A_471, %shift_right_arithmetic3A_479 : vector<16xi32>
    %add3A_481 = arith.addi %mul3A_477, %shift_right_arithmetic3A_480 : vector<16xi32>
    %get3A_482 = arith.constant 176 : index
    %get3A_483 = tpu.vector_load %arg9[%get3A_482] {strides = array<i32>} : memref<512xi32, #tpu.memory_space<vmem>>, vector<16xi32>,
    %eq3A_484 = arith.cmpi eq, %add3A_481, %gather3A_469 : vector<16xi32>
    %and3A_485 = arith.constant 1 : i32
    %and3A_486 = vector.broadcast %and3A_485 : i32 to vector<16xi32>
    %and3A_487 = arith.andi %get3A_483, %and3A_486 : vector<16xi32>
    %ne3A_488 = arith.constant 0 : i32
    %ne3A_489 = vector.broadcast %ne3A_488 : i32 to vector<16xi32>
    %ne3A_490 = arith.cmpi ne, %and3A_487, %ne3A_489 : vector<16xi32>
    %and3A_491 = arith.andi %eq3A_484, %ne3A_490 : vector<16xi1>
    %shift_right_arithmetic3A_492 = arith.constant 1 : i32
    %shift_right_arithmetic3A_493 = vector.broadcast %shift_right_arithmetic3A_492 : i32 to vector<16xi32>
    %shift_right_arithmetic3A_494 = arith.shrsi %get3A_483, %shift_right_arithmetic3A_493 : vector<16xi32>
    %ne3A_495 = arith.constant 0 : i32
    %ne3A_496 = vector.broadcast %ne3A_495 : i32 to vector<16xi32>
    %ne3A_497 = arith.cmpi ne, %shift_right_arithmetic3A_494, %ne3A_496 : vector<16xi32>
    %or3A_498 = arith.ori %ne3A_497, %and3A_491 : vector<16xi1>
    %convert_element_type3A_499 = arith.extui %or3A_498 : vector<16xi1> to vector<16xi32>
    %mul3A_500 = arith.constant 2 : i32
    %mul3A_501 = vector.broadcast %mul3A_500 : i32 to vector<16xi32>
    %mul3A_502 = arith.muli %convert_element_type3A_499, %mul3A_501 : vector<16xi32>
    %convert_element_type3A_503 = arith.extui %and3A_491 : vector<16xi1> to vector<16xi32>
    %add3A_504 = arith.addi %mul3A_502, %convert_element_type3A_503 : vector<16xi32>
    %swap3A_505 = arith.constant 176 : index
    %swap3A_506 = tpu.vector_load %arg10[%swap3A_505] {strides = array<i32>} : memref<512xi32, #tpu.memory_space<vmem>>, vector<16xi32>,
    tpu.vector_store %arg10[%swap3A_505], %add3A_504 {strides = array<i32>} : memref<512xi32, #tpu.memory_space<vmem>>, vector<16xi32>,
    %get3A_507 = arith.constant 192 : index
    %get3A_508 = tpu.vector_load %arg8[%get3A_507] {strides = array<i32>} : memref<512xi32, #tpu.memory_space<vmem>>, vector<16xi32>,
    %gather3A_509 = tpu.vector_load_idx %arg6[%get3A_508] : memref<2048xi32, #tpu.memory_space<vmem>>[vector<16xi32>], vector<16xi32>,
    %get3A_510 = arith.constant 192 : index
    %get3A_511 = tpu.vector_load %arg7[%get3A_510] {strides = array<i32>} : memref<512xi32, #tpu.memory_space<vmem>>, vector<16xi32>,
    %and3A_512 = arith.constant 15 : i32
    %and3A_513 = vector.broadcast %and3A_512 : i32 to vector<16xi32>
    %and3A_514 = arith.andi %get3A_511, %and3A_513 : vector<16xi32>
    %mul3A_515 = arith.constant 16 : i32
    %mul3A_516 = vector.broadcast %mul3A_515 : i32 to vector<16xi32>
    %mul3A_517 = arith.muli %and3A_514, %mul3A_516 : vector<16xi32>
    %shift_right_arithmetic3A_518 = arith.constant 4 : i32
    %shift_right_arithmetic3A_519 = vector.broadcast %shift_right_arithmetic3A_518 : i32 to vector<16xi32>
    %shift_right_arithmetic3A_520 = arith.shrsi %get3A_511, %shift_right_arithmetic3A_519 : vector<16xi32>
    %add3A_521 = arith.addi %mul3A_517, %shift_right_arithmetic3A_520 : vector<16xi32>
    %get3A_522 = arith.constant 192 : index
    %get3A_523 = tpu.vector_load %arg9[%get3A_522] {strides = array<i32>} : memref<512xi32, #tpu.memory_space<vmem>>, vector<16xi32>,
    %eq3A_524 = arith.cmpi eq, %add3A_521, %gather3A_509 : vector<16xi32>
    %and3A_525 = arith.constant 1 : i32
    %and3A_526 = vector.broadcast %and3A_525 : i32 to vector<16xi32>
    %and3A_527 = arith.andi %get3A_523, %and3A_526 : vector<16xi32>
    %ne3A_528 = arith.constant 0 : i32
    %ne3A_529 = vector.broadcast %ne3A_528 : i32 to vector<16xi32>
    %ne3A_530 = arith.cmpi ne, %and3A_527, %ne3A_529 : vector<16xi32>
    %and3A_531 = arith.andi %eq3A_524, %ne3A_530 : vector<16xi1>
    %shift_right_arithmetic3A_532 = arith.constant 1 : i32
    %shift_right_arithmetic3A_533 = vector.broadcast %shift_right_arithmetic3A_532 : i32 to vector<16xi32>
    %shift_right_arithmetic3A_534 = arith.shrsi %get3A_523, %shift_right_arithmetic3A_533 : vector<16xi32>
    %ne3A_535 = arith.constant 0 : i32
    %ne3A_536 = vector.broadcast %ne3A_535 : i32 to vector<16xi32>
    %ne3A_537 = arith.cmpi ne, %shift_right_arithmetic3A_534, %ne3A_536 : vector<16xi32>
    %or3A_538 = arith.ori %ne3A_537, %and3A_531 : vector<16xi1>
    %convert_element_type3A_539 = arith.extui %or3A_538 : vector<16xi1> to vector<16xi32>
    %mul3A_540 = arith.constant 2 : i32
    %mul3A_541 = vector.broadcast %mul3A_540 : i32 to vector<16xi32>
    %mul3A_542 = arith.muli %convert_element_type3A_539, %mul3A_541 : vector<16xi32>
    %convert_element_type3A_543 = arith.extui %and3A_531 : vector<16xi1> to vector<16xi32>
    %add3A_544 = arith.addi %mul3A_542, %convert_element_type3A_543 : vector<16xi32>
    %swap3A_545 = arith.constant 192 : index
    %swap3A_546 = tpu.vector_load %arg10[%swap3A_545] {strides = array<i32>} : memref<512xi32, #tpu.memory_space<vmem>>, vector<16xi32>,
    tpu.vector_store %arg10[%swap3A_545], %add3A_544 {strides = array<i32>} : memref<512xi32, #tpu.memory_space<vmem>>, vector<16xi32>,
    %get3A_547 = arith.constant 208 : index
    %get3A_548 = tpu.vector_load %arg8[%get3A_547] {strides = array<i32>} : memref<512xi32, #tpu.memory_space<vmem>>, vector<16xi32>,
    %gather3A_549 = tpu.vector_load_idx %arg6[%get3A_548] : memref<2048xi32, #tpu.memory_space<vmem>>[vector<16xi32>], vector<16xi32>,
    %get3A_550 = arith.constant 208 : index
    %get3A_551 = tpu.vector_load %arg7[%get3A_550] {strides = array<i32>} : memref<512xi32, #tpu.memory_space<vmem>>, vector<16xi32>,
    %and3A_552 = arith.constant 15 : i32
    %and3A_553 = vector.broadcast %and3A_552 : i32 to vector<16xi32>
    %and3A_554 = arith.andi %get3A_551, %and3A_553 : vector<16xi32>
    %mul3A_555 = arith.constant 16 : i32
    %mul3A_556 = vector.broadcast %mul3A_555 : i32 to vector<16xi32>
    %mul3A_557 = arith.muli %and3A_554, %mul3A_556 : vector<16xi32>
    %shift_right_arithmetic3A_558 = arith.constant 4 : i32
    %shift_right_arithmetic3A_559 = vector.broadcast %shift_right_arithmetic3A_558 : i32 to vector<16xi32>
    %shift_right_arithmetic3A_560 = arith.shrsi %get3A_551, %shift_right_arithmetic3A_559 : vector<16xi32>
    %add3A_561 = arith.addi %mul3A_557, %shift_right_arithmetic3A_560 : vector<16xi32>
    %get3A_562 = arith.constant 208 : index
    %get3A_563 = tpu.vector_load %arg9[%get3A_562] {strides = array<i32>} : memref<512xi32, #tpu.memory_space<vmem>>, vector<16xi32>,
    %eq3A_564 = arith.cmpi eq, %add3A_561, %gather3A_549 : vector<16xi32>
    %and3A_565 = arith.constant 1 : i32
    %and3A_566 = vector.broadcast %and3A_565 : i32 to vector<16xi32>
    %and3A_567 = arith.andi %get3A_563, %and3A_566 : vector<16xi32>
    %ne3A_568 = arith.constant 0 : i32
    %ne3A_569 = vector.broadcast %ne3A_568 : i32 to vector<16xi32>
    %ne3A_570 = arith.cmpi ne, %and3A_567, %ne3A_569 : vector<16xi32>
    %and3A_571 = arith.andi %eq3A_564, %ne3A_570 : vector<16xi1>
    %shift_right_arithmetic3A_572 = arith.constant 1 : i32
    %shift_right_arithmetic3A_573 = vector.broadcast %shift_right_arithmetic3A_572 : i32 to vector<16xi32>
    %shift_right_arithmetic3A_574 = arith.shrsi %get3A_563, %shift_right_arithmetic3A_573 : vector<16xi32>
    %ne3A_575 = arith.constant 0 : i32
    %ne3A_576 = vector.broadcast %ne3A_575 : i32 to vector<16xi32>
    %ne3A_577 = arith.cmpi ne, %shift_right_arithmetic3A_574, %ne3A_576 : vector<16xi32>
    %or3A_578 = arith.ori %ne3A_577, %and3A_571 : vector<16xi1>
    %convert_element_type3A_579 = arith.extui %or3A_578 : vector<16xi1> to vector<16xi32>
    %mul3A_580 = arith.constant 2 : i32
    %mul3A_581 = vector.broadcast %mul3A_580 : i32 to vector<16xi32>
    %mul3A_582 = arith.muli %convert_element_type3A_579, %mul3A_581 : vector<16xi32>
    %convert_element_type3A_583 = arith.extui %and3A_571 : vector<16xi1> to vector<16xi32>
    %add3A_584 = arith.addi %mul3A_582, %convert_element_type3A_583 : vector<16xi32>
    %swap3A_585 = arith.constant 208 : index
    %swap3A_586 = tpu.vector_load %arg10[%swap3A_585] {strides = array<i32>} : memref<512xi32, #tpu.memory_space<vmem>>, vector<16xi32>,
    tpu.vector_store %arg10[%swap3A_585], %add3A_584 {strides = array<i32>} : memref<512xi32, #tpu.memory_space<vmem>>, vector<16xi32>,
    %get3A_587 = arith.constant 224 : index
    %get3A_588 = tpu.vector_load %arg8[%get3A_587] {strides = array<i32>} : memref<512xi32, #tpu.memory_space<vmem>>, vector<16xi32>,
    %gather3A_589 = tpu.vector_load_idx %arg6[%get3A_588] : memref<2048xi32, #tpu.memory_space<vmem>>[vector<16xi32>], vector<16xi32>,
    %get3A_590 = arith.constant 224 : index
    %get3A_591 = tpu.vector_load %arg7[%get3A_590] {strides = array<i32>} : memref<512xi32, #tpu.memory_space<vmem>>, vector<16xi32>,
    %and3A_592 = arith.constant 15 : i32
    %and3A_593 = vector.broadcast %and3A_592 : i32 to vector<16xi32>
    %and3A_594 = arith.andi %get3A_591, %and3A_593 : vector<16xi32>
    %mul3A_595 = arith.constant 16 : i32
    %mul3A_596 = vector.broadcast %mul3A_595 : i32 to vector<16xi32>
    %mul3A_597 = arith.muli %and3A_594, %mul3A_596 : vector<16xi32>
    %shift_right_arithmetic3A_598 = arith.constant 4 : i32
    %shift_right_arithmetic3A_599 = vector.broadcast %shift_right_arithmetic3A_598 : i32 to vector<16xi32>
    %shift_right_arithmetic3A_600 = arith.shrsi %get3A_591, %shift_right_arithmetic3A_599 : vector<16xi32>
    %add3A_601 = arith.addi %mul3A_597, %shift_right_arithmetic3A_600 : vector<16xi32>
    %get3A_602 = arith.constant 224 : index
    %get3A_603 = tpu.vector_load %arg9[%get3A_602] {strides = array<i32>} : memref<512xi32, #tpu.memory_space<vmem>>, vector<16xi32>,
    %eq3A_604 = arith.cmpi eq, %add3A_601, %gather3A_589 : vector<16xi32>
    %and3A_605 = arith.constant 1 : i32
    %and3A_606 = vector.broadcast %and3A_605 : i32 to vector<16xi32>
    %and3A_607 = arith.andi %get3A_603, %and3A_606 : vector<16xi32>
    %ne3A_608 = arith.constant 0 : i32
    %ne3A_609 = vector.broadcast %ne3A_608 : i32 to vector<16xi32>
    %ne3A_610 = arith.cmpi ne, %and3A_607, %ne3A_609 : vector<16xi32>
    %and3A_611 = arith.andi %eq3A_604, %ne3A_610 : vector<16xi1>
    %shift_right_arithmetic3A_612 = arith.constant 1 : i32
    %shift_right_arithmetic3A_613 = vector.broadcast %shift_right_arithmetic3A_612 : i32 to vector<16xi32>
    %shift_right_arithmetic3A_614 = arith.shrsi %get3A_603, %shift_right_arithmetic3A_613 : vector<16xi32>
    %ne3A_615 = arith.constant 0 : i32
    %ne3A_616 = vector.broadcast %ne3A_615 : i32 to vector<16xi32>
    %ne3A_617 = arith.cmpi ne, %shift_right_arithmetic3A_614, %ne3A_616 : vector<16xi32>
    %or3A_618 = arith.ori %ne3A_617, %and3A_611 : vector<16xi1>
    %convert_element_type3A_619 = arith.extui %or3A_618 : vector<16xi1> to vector<16xi32>
    %mul3A_620 = arith.constant 2 : i32
    %mul3A_621 = vector.broadcast %mul3A_620 : i32 to vector<16xi32>
    %mul3A_622 = arith.muli %convert_element_type3A_619, %mul3A_621 : vector<16xi32>
    %convert_element_type3A_623 = arith.extui %and3A_611 : vector<16xi1> to vector<16xi32>
    %add3A_624 = arith.addi %mul3A_622, %convert_element_type3A_623 : vector<16xi32>
    %swap3A_625 = arith.constant 224 : index
    %swap3A_626 = tpu.vector_load %arg10[%swap3A_625] {strides = array<i32>} : memref<512xi32, #tpu.memory_space<vmem>>, vector<16xi32>,
    tpu.vector_store %arg10[%swap3A_625], %add3A_624 {strides = array<i32>} : memref<512xi32, #tpu.memory_space<vmem>>, vector<16xi32>,
    %get3A_627 = arith.constant 240 : index
    %get3A_628 = tpu.vector_load %arg8[%get3A_627] {strides = array<i32>} : memref<512xi32, #tpu.memory_space<vmem>>, vector<16xi32>,
    %gather3A_629 = tpu.vector_load_idx %arg6[%get3A_628] : memref<2048xi32, #tpu.memory_space<vmem>>[vector<16xi32>], vector<16xi32>,
    %get3A_630 = arith.constant 240 : index
    %get3A_631 = tpu.vector_load %arg7[%get3A_630] {strides = array<i32>} : memref<512xi32, #tpu.memory_space<vmem>>, vector<16xi32>,
    %and3A_632 = arith.constant 15 : i32
    %and3A_633 = vector.broadcast %and3A_632 : i32 to vector<16xi32>
    %and3A_634 = arith.andi %get3A_631, %and3A_633 : vector<16xi32>
    %mul3A_635 = arith.constant 16 : i32
    %mul3A_636 = vector.broadcast %mul3A_635 : i32 to vector<16xi32>
    %mul3A_637 = arith.muli %and3A_634, %mul3A_636 : vector<16xi32>
    %shift_right_arithmetic3A_638 = arith.constant 4 : i32
    %shift_right_arithmetic3A_639 = vector.broadcast %shift_right_arithmetic3A_638 : i32 to vector<16xi32>
    %shift_right_arithmetic3A_640 = arith.shrsi %get3A_631, %shift_right_arithmetic3A_639 : vector<16xi32>
    %add3A_641 = arith.addi %mul3A_637, %shift_right_arithmetic3A_640 : vector<16xi32>
    %get3A_642 = arith.constant 240 : index
    %get3A_643 = tpu.vector_load %arg9[%get3A_642] {strides = array<i32>} : memref<512xi32, #tpu.memory_space<vmem>>, vector<16xi32>,
    %eq3A_644 = arith.cmpi eq, %add3A_641, %gather3A_629 : vector<16xi32>
    %and3A_645 = arith.constant 1 : i32
    %and3A_646 = vector.broadcast %and3A_645 : i32 to vector<16xi32>
    %and3A_647 = arith.andi %get3A_643, %and3A_646 : vector<16xi32>
    %ne3A_648 = arith.constant 0 : i32
    %ne3A_649 = vector.broadcast %ne3A_648 : i32 to vector<16xi32>
    %ne3A_650 = arith.cmpi ne, %and3A_647, %ne3A_649 : vector<16xi32>
    %and3A_651 = arith.andi %eq3A_644, %ne3A_650 : vector<16xi1>
    %shift_right_arithmetic3A_652 = arith.constant 1 : i32
    %shift_right_arithmetic3A_653 = vector.broadcast %shift_right_arithmetic3A_652 : i32 to vector<16xi32>
    %shift_right_arithmetic3A_654 = arith.shrsi %get3A_643, %shift_right_arithmetic3A_653 : vector<16xi32>
    %ne3A_655 = arith.constant 0 : i32
    %ne3A_656 = vector.broadcast %ne3A_655 : i32 to vector<16xi32>
    %ne3A_657 = arith.cmpi ne, %shift_right_arithmetic3A_654, %ne3A_656 : vector<16xi32>
    %or3A_658 = arith.ori %ne3A_657, %and3A_651 : vector<16xi1>
    %convert_element_type3A_659 = arith.extui %or3A_658 : vector<16xi1> to vector<16xi32>
    %mul3A_660 = arith.constant 2 : i32
    %mul3A_661 = vector.broadcast %mul3A_660 : i32 to vector<16xi32>
    %mul3A_662 = arith.muli %convert_element_type3A_659, %mul3A_661 : vector<16xi32>
    %convert_element_type3A_663 = arith.extui %and3A_651 : vector<16xi1> to vector<16xi32>
    %add3A_664 = arith.addi %mul3A_662, %convert_element_type3A_663 : vector<16xi32>
    %swap3A_665 = arith.constant 240 : index
    %swap3A_666 = tpu.vector_load %arg10[%swap3A_665] {strides = array<i32>} : memref<512xi32, #tpu.memory_space<vmem>>, vector<16xi32>,
    tpu.vector_store %arg10[%swap3A_665], %add3A_664 {strides = array<i32>} : memref<512xi32, #tpu.memory_space<vmem>>, vector<16xi32>,
    %get3A_667 = arith.constant 256 : index
    %get3A_668 = tpu.vector_load %arg8[%get3A_667] {strides = array<i32>} : memref<512xi32, #tpu.memory_space<vmem>>, vector<16xi32>,
    %gather3A_669 = tpu.vector_load_idx %arg6[%get3A_668] : memref<2048xi32, #tpu.memory_space<vmem>>[vector<16xi32>], vector<16xi32>,
    %get3A_670 = arith.constant 256 : index
    %get3A_671 = tpu.vector_load %arg7[%get3A_670] {strides = array<i32>} : memref<512xi32, #tpu.memory_space<vmem>>, vector<16xi32>,
    %and3A_672 = arith.constant 15 : i32
    %and3A_673 = vector.broadcast %and3A_672 : i32 to vector<16xi32>
    %and3A_674 = arith.andi %get3A_671, %and3A_673 : vector<16xi32>
    %mul3A_675 = arith.constant 16 : i32
    %mul3A_676 = vector.broadcast %mul3A_675 : i32 to vector<16xi32>
    %mul3A_677 = arith.muli %and3A_674, %mul3A_676 : vector<16xi32>
    %shift_right_arithmetic3A_678 = arith.constant 4 : i32
    %shift_right_arithmetic3A_679 = vector.broadcast %shift_right_arithmetic3A_678 : i32 to vector<16xi32>
    %shift_right_arithmetic3A_680 = arith.shrsi %get3A_671, %shift_right_arithmetic3A_679 : vector<16xi32>
    %add3A_681 = arith.addi %mul3A_677, %shift_right_arithmetic3A_680 : vector<16xi32>
    %get3A_682 = arith.constant 256 : index
    %get3A_683 = tpu.vector_load %arg9[%get3A_682] {strides = array<i32>} : memref<512xi32, #tpu.memory_space<vmem>>, vector<16xi32>,
    %eq3A_684 = arith.cmpi eq, %add3A_681, %gather3A_669 : vector<16xi32>
    %and3A_685 = arith.constant 1 : i32
    %and3A_686 = vector.broadcast %and3A_685 : i32 to vector<16xi32>
    %and3A_687 = arith.andi %get3A_683, %and3A_686 : vector<16xi32>
    %ne3A_688 = arith.constant 0 : i32
    %ne3A_689 = vector.broadcast %ne3A_688 : i32 to vector<16xi32>
    %ne3A_690 = arith.cmpi ne, %and3A_687, %ne3A_689 : vector<16xi32>
    %and3A_691 = arith.andi %eq3A_684, %ne3A_690 : vector<16xi1>
    %shift_right_arithmetic3A_692 = arith.constant 1 : i32
    %shift_right_arithmetic3A_693 = vector.broadcast %shift_right_arithmetic3A_692 : i32 to vector<16xi32>
    %shift_right_arithmetic3A_694 = arith.shrsi %get3A_683, %shift_right_arithmetic3A_693 : vector<16xi32>
    %ne3A_695 = arith.constant 0 : i32
    %ne3A_696 = vector.broadcast %ne3A_695 : i32 to vector<16xi32>
    %ne3A_697 = arith.cmpi ne, %shift_right_arithmetic3A_694, %ne3A_696 : vector<16xi32>
    %or3A_698 = arith.ori %ne3A_697, %and3A_691 : vector<16xi1>
    %convert_element_type3A_699 = arith.extui %or3A_698 : vector<16xi1> to vector<16xi32>
    %mul3A_700 = arith.constant 2 : i32
    %mul3A_701 = vector.broadcast %mul3A_700 : i32 to vector<16xi32>
    %mul3A_702 = arith.muli %convert_element_type3A_699, %mul3A_701 : vector<16xi32>
    %convert_element_type3A_703 = arith.extui %and3A_691 : vector<16xi1> to vector<16xi32>
    %add3A_704 = arith.addi %mul3A_702, %convert_element_type3A_703 : vector<16xi32>
    %swap3A_705 = arith.constant 256 : index
    %swap3A_706 = tpu.vector_load %arg10[%swap3A_705] {strides = array<i32>} : memref<512xi32, #tpu.memory_space<vmem>>, vector<16xi32>,
    tpu.vector_store %arg10[%swap3A_705], %add3A_704 {strides = array<i32>} : memref<512xi32, #tpu.memory_space<vmem>>, vector<16xi32>,
    %get3A_707 = arith.constant 272 : index
    %get3A_708 = tpu.vector_load %arg8[%get3A_707] {strides = array<i32>} : memref<512xi32, #tpu.memory_space<vmem>>, vector<16xi32>,
    %gather3A_709 = tpu.vector_load_idx %arg6[%get3A_708] : memref<2048xi32, #tpu.memory_space<vmem>>[vector<16xi32>], vector<16xi32>,
    %get3A_710 = arith.constant 272 : index
    %get3A_711 = tpu.vector_load %arg7[%get3A_710] {strides = array<i32>} : memref<512xi32, #tpu.memory_space<vmem>>, vector<16xi32>,
    %and3A_712 = arith.constant 15 : i32
    %and3A_713 = vector.broadcast %and3A_712 : i32 to vector<16xi32>
    %and3A_714 = arith.andi %get3A_711, %and3A_713 : vector<16xi32>
    %mul3A_715 = arith.constant 16 : i32
    %mul3A_716 = vector.broadcast %mul3A_715 : i32 to vector<16xi32>
    %mul3A_717 = arith.muli %and3A_714, %mul3A_716 : vector<16xi32>
    %shift_right_arithmetic3A_718 = arith.constant 4 : i32
    %shift_right_arithmetic3A_719 = vector.broadcast %shift_right_arithmetic3A_718 : i32 to vector<16xi32>
    %shift_right_arithmetic3A_720 = arith.shrsi %get3A_711, %shift_right_arithmetic3A_719 : vector<16xi32>
    %add3A_721 = arith.addi %mul3A_717, %shift_right_arithmetic3A_720 : vector<16xi32>
    %get3A_722 = arith.constant 272 : index
    %get3A_723 = tpu.vector_load %arg9[%get3A_722] {strides = array<i32>} : memref<512xi32, #tpu.memory_space<vmem>>, vector<16xi32>,
    %eq3A_724 = arith.cmpi eq, %add3A_721, %gather3A_709 : vector<16xi32>
    %and3A_725 = arith.constant 1 : i32
    %and3A_726 = vector.broadcast %and3A_725 : i32 to vector<16xi32>
    %and3A_727 = arith.andi %get3A_723, %and3A_726 : vector<16xi32>
    %ne3A_728 = arith.constant 0 : i32
    %ne3A_729 = vector.broadcast %ne3A_728 : i32 to vector<16xi32>
    %ne3A_730 = arith.cmpi ne, %and3A_727, %ne3A_729 : vector<16xi32>
    %and3A_731 = arith.andi %eq3A_724, %ne3A_730 : vector<16xi1>
    %shift_right_arithmetic3A_732 = arith.constant 1 : i32
    %shift_right_arithmetic3A_733 = vector.broadcast %shift_right_arithmetic3A_732 : i32 to vector<16xi32>
    %shift_right_arithmetic3A_734 = arith.shrsi %get3A_723, %shift_right_arithmetic3A_733 : vector<16xi32>
    %ne3A_735 = arith.constant 0 : i32
    %ne3A_736 = vector.broadcast %ne3A_735 : i32 to vector<16xi32>
    %ne3A_737 = arith.cmpi ne, %shift_right_arithmetic3A_734, %ne3A_736 : vector<16xi32>
    %or3A_738 = arith.ori %ne3A_737, %and3A_731 : vector<16xi1>
    %convert_element_type3A_739 = arith.extui %or3A_738 : vector<16xi1> to vector<16xi32>
    %mul3A_740 = arith.constant 2 : i32
    %mul3A_741 = vector.broadcast %mul3A_740 : i32 to vector<16xi32>
    %mul3A_742 = arith.muli %convert_element_type3A_739, %mul3A_741 : vector<16xi32>
    %convert_element_type3A_743 = arith.extui %and3A_731 : vector<16xi1> to vector<16xi32>
    %add3A_744 = arith.addi %mul3A_742, %convert_element_type3A_743 : vector<16xi32>
    %swap3A_745 = arith.constant 272 : index
    %swap3A_746 = tpu.vector_load %arg10[%swap3A_745] {strides = array<i32>} : memref<512xi32, #tpu.memory_space<vmem>>, vector<16xi32>,
    tpu.vector_store %arg10[%swap3A_745], %add3A_744 {strides = array<i32>} : memref<512xi32, #tpu.memory_space<vmem>>, vector<16xi32>,
    %get3A_747 = arith.constant 288 : index
    %get3A_748 = tpu.vector_load %arg8[%get3A_747] {strides = array<i32>} : memref<512xi32, #tpu.memory_space<vmem>>, vector<16xi32>,
    %gather3A_749 = tpu.vector_load_idx %arg6[%get3A_748] : memref<2048xi32, #tpu.memory_space<vmem>>[vector<16xi32>], vector<16xi32>,
    %get3A_750 = arith.constant 288 : index
    %get3A_751 = tpu.vector_load %arg7[%get3A_750] {strides = array<i32>} : memref<512xi32, #tpu.memory_space<vmem>>, vector<16xi32>,
    %and3A_752 = arith.constant 15 : i32
    %and3A_753 = vector.broadcast %and3A_752 : i32 to vector<16xi32>
    %and3A_754 = arith.andi %get3A_751, %and3A_753 : vector<16xi32>
    %mul3A_755 = arith.constant 16 : i32
    %mul3A_756 = vector.broadcast %mul3A_755 : i32 to vector<16xi32>
    %mul3A_757 = arith.muli %and3A_754, %mul3A_756 : vector<16xi32>
    %shift_right_arithmetic3A_758 = arith.constant 4 : i32
    %shift_right_arithmetic3A_759 = vector.broadcast %shift_right_arithmetic3A_758 : i32 to vector<16xi32>
    %shift_right_arithmetic3A_760 = arith.shrsi %get3A_751, %shift_right_arithmetic3A_759 : vector<16xi32>
    %add3A_761 = arith.addi %mul3A_757, %shift_right_arithmetic3A_760 : vector<16xi32>
    %get3A_762 = arith.constant 288 : index
    %get3A_763 = tpu.vector_load %arg9[%get3A_762] {strides = array<i32>} : memref<512xi32, #tpu.memory_space<vmem>>, vector<16xi32>,
    %eq3A_764 = arith.cmpi eq, %add3A_761, %gather3A_749 : vector<16xi32>
    %and3A_765 = arith.constant 1 : i32
    %and3A_766 = vector.broadcast %and3A_765 : i32 to vector<16xi32>
    %and3A_767 = arith.andi %get3A_763, %and3A_766 : vector<16xi32>
    %ne3A_768 = arith.constant 0 : i32
    %ne3A_769 = vector.broadcast %ne3A_768 : i32 to vector<16xi32>
    %ne3A_770 = arith.cmpi ne, %and3A_767, %ne3A_769 : vector<16xi32>
    %and3A_771 = arith.andi %eq3A_764, %ne3A_770 : vector<16xi1>
    %shift_right_arithmetic3A_772 = arith.constant 1 : i32
    %shift_right_arithmetic3A_773 = vector.broadcast %shift_right_arithmetic3A_772 : i32 to vector<16xi32>
    %shift_right_arithmetic3A_774 = arith.shrsi %get3A_763, %shift_right_arithmetic3A_773 : vector<16xi32>
    %ne3A_775 = arith.constant 0 : i32
    %ne3A_776 = vector.broadcast %ne3A_775 : i32 to vector<16xi32>
    %ne3A_777 = arith.cmpi ne, %shift_right_arithmetic3A_774, %ne3A_776 : vector<16xi32>
    %or3A_778 = arith.ori %ne3A_777, %and3A_771 : vector<16xi1>
    %convert_element_type3A_779 = arith.extui %or3A_778 : vector<16xi1> to vector<16xi32>
    %mul3A_780 = arith.constant 2 : i32
    %mul3A_781 = vector.broadcast %mul3A_780 : i32 to vector<16xi32>
    %mul3A_782 = arith.muli %convert_element_type3A_779, %mul3A_781 : vector<16xi32>
    %convert_element_type3A_783 = arith.extui %and3A_771 : vector<16xi1> to vector<16xi32>
    %add3A_784 = arith.addi %mul3A_782, %convert_element_type3A_783 : vector<16xi32>
    %swap3A_785 = arith.constant 288 : index
    %swap3A_786 = tpu.vector_load %arg10[%swap3A_785] {strides = array<i32>} : memref<512xi32, #tpu.memory_space<vmem>>, vector<16xi32>,
    tpu.vector_store %arg10[%swap3A_785], %add3A_784 {strides = array<i32>} : memref<512xi32, #tpu.memory_space<vmem>>, vector<16xi32>,
    %get3A_787 = arith.constant 304 : index
    %get3A_788 = tpu.vector_load %arg8[%get3A_787] {strides = array<i32>} : memref<512xi32, #tpu.memory_space<vmem>>, vector<16xi32>,
    %gather3A_789 = tpu.vector_load_idx %arg6[%get3A_788] : memref<2048xi32, #tpu.memory_space<vmem>>[vector<16xi32>], vector<16xi32>,
    %get3A_790 = arith.constant 304 : index
    %get3A_791 = tpu.vector_load %arg7[%get3A_790] {strides = array<i32>} : memref<512xi32, #tpu.memory_space<vmem>>, vector<16xi32>,
    %and3A_792 = arith.constant 15 : i32
    %and3A_793 = vector.broadcast %and3A_792 : i32 to vector<16xi32>
    %and3A_794 = arith.andi %get3A_791, %and3A_793 : vector<16xi32>
    %mul3A_795 = arith.constant 16 : i32
    %mul3A_796 = vector.broadcast %mul3A_795 : i32 to vector<16xi32>
    %mul3A_797 = arith.muli %and3A_794, %mul3A_796 : vector<16xi32>
    %shift_right_arithmetic3A_798 = arith.constant 4 : i32
    %shift_right_arithmetic3A_799 = vector.broadcast %shift_right_arithmetic3A_798 : i32 to vector<16xi32>
    %shift_right_arithmetic3A_800 = arith.shrsi %get3A_791, %shift_right_arithmetic3A_799 : vector<16xi32>
    %add3A_801 = arith.addi %mul3A_797, %shift_right_arithmetic3A_800 : vector<16xi32>
    %get3A_802 = arith.constant 304 : index
    %get3A_803 = tpu.vector_load %arg9[%get3A_802] {strides = array<i32>} : memref<512xi32, #tpu.memory_space<vmem>>, vector<16xi32>,
    %eq3A_804 = arith.cmpi eq, %add3A_801, %gather3A_789 : vector<16xi32>
    %and3A_805 = arith.constant 1 : i32
    %and3A_806 = vector.broadcast %and3A_805 : i32 to vector<16xi32>
    %and3A_807 = arith.andi %get3A_803, %and3A_806 : vector<16xi32>
    %ne3A_808 = arith.constant 0 : i32
    %ne3A_809 = vector.broadcast %ne3A_808 : i32 to vector<16xi32>
    %ne3A_810 = arith.cmpi ne, %and3A_807, %ne3A_809 : vector<16xi32>
    %and3A_811 = arith.andi %eq3A_804, %ne3A_810 : vector<16xi1>
    %shift_right_arithmetic3A_812 = arith.constant 1 : i32
    %shift_right_arithmetic3A_813 = vector.broadcast %shift_right_arithmetic3A_812 : i32 to vector<16xi32>
    %shift_right_arithmetic3A_814 = arith.shrsi %get3A_803, %shift_right_arithmetic3A_813 : vector<16xi32>
    %ne3A_815 = arith.constant 0 : i32
    %ne3A_816 = vector.broadcast %ne3A_815 : i32 to vector<16xi32>
    %ne3A_817 = arith.cmpi ne, %shift_right_arithmetic3A_814, %ne3A_816 : vector<16xi32>
    %or3A_818 = arith.ori %ne3A_817, %and3A_811 : vector<16xi1>
    %convert_element_type3A_819 = arith.extui %or3A_818 : vector<16xi1> to vector<16xi32>
    %mul3A_820 = arith.constant 2 : i32
    %mul3A_821 = vector.broadcast %mul3A_820 : i32 to vector<16xi32>
    %mul3A_822 = arith.muli %convert_element_type3A_819, %mul3A_821 : vector<16xi32>
    %convert_element_type3A_823 = arith.extui %and3A_811 : vector<16xi1> to vector<16xi32>
    %add3A_824 = arith.addi %mul3A_822, %convert_element_type3A_823 : vector<16xi32>
    %swap3A_825 = arith.constant 304 : index
    %swap3A_826 = tpu.vector_load %arg10[%swap3A_825] {strides = array<i32>} : memref<512xi32, #tpu.memory_space<vmem>>, vector<16xi32>,
    tpu.vector_store %arg10[%swap3A_825], %add3A_824 {strides = array<i32>} : memref<512xi32, #tpu.memory_space<vmem>>, vector<16xi32>,
    %get3A_827 = arith.constant 320 : index
    %get3A_828 = tpu.vector_load %arg8[%get3A_827] {strides = array<i32>} : memref<512xi32, #tpu.memory_space<vmem>>, vector<16xi32>,
    %gather3A_829 = tpu.vector_load_idx %arg6[%get3A_828] : memref<2048xi32, #tpu.memory_space<vmem>>[vector<16xi32>], vector<16xi32>,
    %get3A_830 = arith.constant 320 : index
    %get3A_831 = tpu.vector_load %arg7[%get3A_830] {strides = array<i32>} : memref<512xi32, #tpu.memory_space<vmem>>, vector<16xi32>,
    %and3A_832 = arith.constant 15 : i32
    %and3A_833 = vector.broadcast %and3A_832 : i32 to vector<16xi32>
    %and3A_834 = arith.andi %get3A_831, %and3A_833 : vector<16xi32>
    %mul3A_835 = arith.constant 16 : i32
    %mul3A_836 = vector.broadcast %mul3A_835 : i32 to vector<16xi32>
    %mul3A_837 = arith.muli %and3A_834, %mul3A_836 : vector<16xi32>
    %shift_right_arithmetic3A_838 = arith.constant 4 : i32
    %shift_right_arithmetic3A_839 = vector.broadcast %shift_right_arithmetic3A_838 : i32 to vector<16xi32>
    %shift_right_arithmetic3A_840 = arith.shrsi %get3A_831, %shift_right_arithmetic3A_839 : vector<16xi32>
    %add3A_841 = arith.addi %mul3A_837, %shift_right_arithmetic3A_840 : vector<16xi32>
    %get3A_842 = arith.constant 320 : index
    %get3A_843 = tpu.vector_load %arg9[%get3A_842] {strides = array<i32>} : memref<512xi32, #tpu.memory_space<vmem>>, vector<16xi32>,
    %eq3A_844 = arith.cmpi eq, %add3A_841, %gather3A_829 : vector<16xi32>
    %and3A_845 = arith.constant 1 : i32
    %and3A_846 = vector.broadcast %and3A_845 : i32 to vector<16xi32>
    %and3A_847 = arith.andi %get3A_843, %and3A_846 : vector<16xi32>
    %ne3A_848 = arith.constant 0 : i32
    %ne3A_849 = vector.broadcast %ne3A_848 : i32 to vector<16xi32>
    %ne3A_850 = arith.cmpi ne, %and3A_847, %ne3A_849 : vector<16xi32>
    %and3A_851 = arith.andi %eq3A_844, %ne3A_850 : vector<16xi1>
    %shift_right_arithmetic3A_852 = arith.constant 1 : i32
    %shift_right_arithmetic3A_853 = vector.broadcast %shift_right_arithmetic3A_852 : i32 to vector<16xi32>
    %shift_right_arithmetic3A_854 = arith.shrsi %get3A_843, %shift_right_arithmetic3A_853 : vector<16xi32>
    %ne3A_855 = arith.constant 0 : i32
    %ne3A_856 = vector.broadcast %ne3A_855 : i32 to vector<16xi32>
    %ne3A_857 = arith.cmpi ne, %shift_right_arithmetic3A_854, %ne3A_856 : vector<16xi32>
    %or3A_858 = arith.ori %ne3A_857, %and3A_851 : vector<16xi1>
    %convert_element_type3A_859 = arith.extui %or3A_858 : vector<16xi1> to vector<16xi32>
    %mul3A_860 = arith.constant 2 : i32
    %mul3A_861 = vector.broadcast %mul3A_860 : i32 to vector<16xi32>
    %mul3A_862 = arith.muli %convert_element_type3A_859, %mul3A_861 : vector<16xi32>
    %convert_element_type3A_863 = arith.extui %and3A_851 : vector<16xi1> to vector<16xi32>
    %add3A_864 = arith.addi %mul3A_862, %convert_element_type3A_863 : vector<16xi32>
    %swap3A_865 = arith.constant 320 : index
    %swap3A_866 = tpu.vector_load %arg10[%swap3A_865] {strides = array<i32>} : memref<512xi32, #tpu.memory_space<vmem>>, vector<16xi32>,
    tpu.vector_store %arg10[%swap3A_865], %add3A_864 {strides = array<i32>} : memref<512xi32, #tpu.memory_space<vmem>>, vector<16xi32>,
    %get3A_867 = arith.constant 336 : index
    %get3A_868 = tpu.vector_load %arg8[%get3A_867] {strides = array<i32>} : memref<512xi32, #tpu.memory_space<vmem>>, vector<16xi32>,
    %gather3A_869 = tpu.vector_load_idx %arg6[%get3A_868] : memref<2048xi32, #tpu.memory_space<vmem>>[vector<16xi32>], vector<16xi32>,
    %get3A_870 = arith.constant 336 : index
    %get3A_871 = tpu.vector_load %arg7[%get3A_870] {strides = array<i32>} : memref<512xi32, #tpu.memory_space<vmem>>, vector<16xi32>,
    %and3A_872 = arith.constant 15 : i32
    %and3A_873 = vector.broadcast %and3A_872 : i32 to vector<16xi32>
    %and3A_874 = arith.andi %get3A_871, %and3A_873 : vector<16xi32>
    %mul3A_875 = arith.constant 16 : i32
    %mul3A_876 = vector.broadcast %mul3A_875 : i32 to vector<16xi32>
    %mul3A_877 = arith.muli %and3A_874, %mul3A_876 : vector<16xi32>
    %shift_right_arithmetic3A_878 = arith.constant 4 : i32
    %shift_right_arithmetic3A_879 = vector.broadcast %shift_right_arithmetic3A_878 : i32 to vector<16xi32>
    %shift_right_arithmetic3A_880 = arith.shrsi %get3A_871, %shift_right_arithmetic3A_879 : vector<16xi32>
    %add3A_881 = arith.addi %mul3A_877, %shift_right_arithmetic3A_880 : vector<16xi32>
    %get3A_882 = arith.constant 336 : index
    %get3A_883 = tpu.vector_load %arg9[%get3A_882] {strides = array<i32>} : memref<512xi32, #tpu.memory_space<vmem>>, vector<16xi32>,
    %eq3A_884 = arith.cmpi eq, %add3A_881, %gather3A_869 : vector<16xi32>
    %and3A_885 = arith.constant 1 : i32
    %and3A_886 = vector.broadcast %and3A_885 : i32 to vector<16xi32>
    %and3A_887 = arith.andi %get3A_883, %and3A_886 : vector<16xi32>
    %ne3A_888 = arith.constant 0 : i32
    %ne3A_889 = vector.broadcast %ne3A_888 : i32 to vector<16xi32>
    %ne3A_890 = arith.cmpi ne, %and3A_887, %ne3A_889 : vector<16xi32>
    %and3A_891 = arith.andi %eq3A_884, %ne3A_890 : vector<16xi1>
    %shift_right_arithmetic3A_892 = arith.constant 1 : i32
    %shift_right_arithmetic3A_893 = vector.broadcast %shift_right_arithmetic3A_892 : i32 to vector<16xi32>
    %shift_right_arithmetic3A_894 = arith.shrsi %get3A_883, %shift_right_arithmetic3A_893 : vector<16xi32>
    %ne3A_895 = arith.constant 0 : i32
    %ne3A_896 = vector.broadcast %ne3A_895 : i32 to vector<16xi32>
    %ne3A_897 = arith.cmpi ne, %shift_right_arithmetic3A_894, %ne3A_896 : vector<16xi32>
    %or3A_898 = arith.ori %ne3A_897, %and3A_891 : vector<16xi1>
    %convert_element_type3A_899 = arith.extui %or3A_898 : vector<16xi1> to vector<16xi32>
    %mul3A_900 = arith.constant 2 : i32
    %mul3A_901 = vector.broadcast %mul3A_900 : i32 to vector<16xi32>
    %mul3A_902 = arith.muli %convert_element_type3A_899, %mul3A_901 : vector<16xi32>
    %convert_element_type3A_903 = arith.extui %and3A_891 : vector<16xi1> to vector<16xi32>
    %add3A_904 = arith.addi %mul3A_902, %convert_element_type3A_903 : vector<16xi32>
    %swap3A_905 = arith.constant 336 : index
    %swap3A_906 = tpu.vector_load %arg10[%swap3A_905] {strides = array<i32>} : memref<512xi32, #tpu.memory_space<vmem>>, vector<16xi32>,
    tpu.vector_store %arg10[%swap3A_905], %add3A_904 {strides = array<i32>} : memref<512xi32, #tpu.memory_space<vmem>>, vector<16xi32>,
    %get3A_907 = arith.constant 352 : index
    %get3A_908 = tpu.vector_load %arg8[%get3A_907] {strides = array<i32>} : memref<512xi32, #tpu.memory_space<vmem>>, vector<16xi32>,
    %gather3A_909 = tpu.vector_load_idx %arg6[%get3A_908] : memref<2048xi32, #tpu.memory_space<vmem>>[vector<16xi32>], vector<16xi32>,
    %get3A_910 = arith.constant 352 : index
    %get3A_911 = tpu.vector_load %arg7[%get3A_910] {strides = array<i32>} : memref<512xi32, #tpu.memory_space<vmem>>, vector<16xi32>,
    %and3A_912 = arith.constant 15 : i32
    %and3A_913 = vector.broadcast %and3A_912 : i32 to vector<16xi32>
    %and3A_914 = arith.andi %get3A_911, %and3A_913 : vector<16xi32>
    %mul3A_915 = arith.constant 16 : i32
    %mul3A_916 = vector.broadcast %mul3A_915 : i32 to vector<16xi32>
    %mul3A_917 = arith.muli %and3A_914, %mul3A_916 : vector<16xi32>
    %shift_right_arithmetic3A_918 = arith.constant 4 : i32
    %shift_right_arithmetic3A_919 = vector.broadcast %shift_right_arithmetic3A_918 : i32 to vector<16xi32>
    %shift_right_arithmetic3A_920 = arith.shrsi %get3A_911, %shift_right_arithmetic3A_919 : vector<16xi32>
    %add3A_921 = arith.addi %mul3A_917, %shift_right_arithmetic3A_920 : vector<16xi32>
    %get3A_922 = arith.constant 352 : index
    %get3A_923 = tpu.vector_load %arg9[%get3A_922] {strides = array<i32>} : memref<512xi32, #tpu.memory_space<vmem>>, vector<16xi32>,
    %eq3A_924 = arith.cmpi eq, %add3A_921, %gather3A_909 : vector<16xi32>
    %and3A_925 = arith.constant 1 : i32
    %and3A_926 = vector.broadcast %and3A_925 : i32 to vector<16xi32>
    %and3A_927 = arith.andi %get3A_923, %and3A_926 : vector<16xi32>
    %ne3A_928 = arith.constant 0 : i32
    %ne3A_929 = vector.broadcast %ne3A_928 : i32 to vector<16xi32>
    %ne3A_930 = arith.cmpi ne, %and3A_927, %ne3A_929 : vector<16xi32>
    %and3A_931 = arith.andi %eq3A_924, %ne3A_930 : vector<16xi1>
    %shift_right_arithmetic3A_932 = arith.constant 1 : i32
    %shift_right_arithmetic3A_933 = vector.broadcast %shift_right_arithmetic3A_932 : i32 to vector<16xi32>
    %shift_right_arithmetic3A_934 = arith.shrsi %get3A_923, %shift_right_arithmetic3A_933 : vector<16xi32>
    %ne3A_935 = arith.constant 0 : i32
    %ne3A_936 = vector.broadcast %ne3A_935 : i32 to vector<16xi32>
    %ne3A_937 = arith.cmpi ne, %shift_right_arithmetic3A_934, %ne3A_936 : vector<16xi32>
    %or3A_938 = arith.ori %ne3A_937, %and3A_931 : vector<16xi1>
    %convert_element_type3A_939 = arith.extui %or3A_938 : vector<16xi1> to vector<16xi32>
    %mul3A_940 = arith.constant 2 : i32
    %mul3A_941 = vector.broadcast %mul3A_940 : i32 to vector<16xi32>
    %mul3A_942 = arith.muli %convert_element_type3A_939, %mul3A_941 : vector<16xi32>
    %convert_element_type3A_943 = arith.extui %and3A_931 : vector<16xi1> to vector<16xi32>
    %add3A_944 = arith.addi %mul3A_942, %convert_element_type3A_943 : vector<16xi32>
    %swap3A_945 = arith.constant 352 : index
    %swap3A_946 = tpu.vector_load %arg10[%swap3A_945] {strides = array<i32>} : memref<512xi32, #tpu.memory_space<vmem>>, vector<16xi32>,
    tpu.vector_store %arg10[%swap3A_945], %add3A_944 {strides = array<i32>} : memref<512xi32, #tpu.memory_space<vmem>>, vector<16xi32>,
    %get3A_947 = arith.constant 368 : index
    %get3A_948 = tpu.vector_load %arg8[%get3A_947] {strides = array<i32>} : memref<512xi32, #tpu.memory_space<vmem>>, vector<16xi32>,
    %gather3A_949 = tpu.vector_load_idx %arg6[%get3A_948] : memref<2048xi32, #tpu.memory_space<vmem>>[vector<16xi32>], vector<16xi32>,
    %get3A_950 = arith.constant 368 : index
    %get3A_951 = tpu.vector_load %arg7[%get3A_950] {strides = array<i32>} : memref<512xi32, #tpu.memory_space<vmem>>, vector<16xi32>,
    %and3A_952 = arith.constant 15 : i32
    %and3A_953 = vector.broadcast %and3A_952 : i32 to vector<16xi32>
    %and3A_954 = arith.andi %get3A_951, %and3A_953 : vector<16xi32>
    %mul3A_955 = arith.constant 16 : i32
    %mul3A_956 = vector.broadcast %mul3A_955 : i32 to vector<16xi32>
    %mul3A_957 = arith.muli %and3A_954, %mul3A_956 : vector<16xi32>
    %shift_right_arithmetic3A_958 = arith.constant 4 : i32
    %shift_right_arithmetic3A_959 = vector.broadcast %shift_right_arithmetic3A_958 : i32 to vector<16xi32>
    %shift_right_arithmetic3A_960 = arith.shrsi %get3A_951, %shift_right_arithmetic3A_959 : vector<16xi32>
    %add3A_961 = arith.addi %mul3A_957, %shift_right_arithmetic3A_960 : vector<16xi32>
    %get3A_962 = arith.constant 368 : index
    %get3A_963 = tpu.vector_load %arg9[%get3A_962] {strides = array<i32>} : memref<512xi32, #tpu.memory_space<vmem>>, vector<16xi32>,
    %eq3A_964 = arith.cmpi eq, %add3A_961, %gather3A_949 : vector<16xi32>
    %and3A_965 = arith.constant 1 : i32
    %and3A_966 = vector.broadcast %and3A_965 : i32 to vector<16xi32>
    %and3A_967 = arith.andi %get3A_963, %and3A_966 : vector<16xi32>
    %ne3A_968 = arith.constant 0 : i32
    %ne3A_969 = vector.broadcast %ne3A_968 : i32 to vector<16xi32>
    %ne3A_970 = arith.cmpi ne, %and3A_967, %ne3A_969 : vector<16xi32>
    %and3A_971 = arith.andi %eq3A_964, %ne3A_970 : vector<16xi1>
    %shift_right_arithmetic3A_972 = arith.constant 1 : i32
    %shift_right_arithmetic3A_973 = vector.broadcast %shift_right_arithmetic3A_972 : i32 to vector<16xi32>
    %shift_right_arithmetic3A_974 = arith.shrsi %get3A_963, %shift_right_arithmetic3A_973 : vector<16xi32>
    %ne3A_975 = arith.constant 0 : i32
    %ne3A_976 = vector.broadcast %ne3A_975 : i32 to vector<16xi32>
    %ne3A_977 = arith.cmpi ne, %shift_right_arithmetic3A_974, %ne3A_976 : vector<16xi32>
    %or3A_978 = arith.ori %ne3A_977, %and3A_971 : vector<16xi1>
    %convert_element_type3A_979 = arith.extui %or3A_978 : vector<16xi1> to vector<16xi32>
    %mul3A_980 = arith.constant 2 : i32
    %mul3A_981 = vector.broadcast %mul3A_980 : i32 to vector<16xi32>
    %mul3A_982 = arith.muli %convert_element_type3A_979, %mul3A_981 : vector<16xi32>
    %convert_element_type3A_983 = arith.extui %and3A_971 : vector<16xi1> to vector<16xi32>
    %add3A_984 = arith.addi %mul3A_982, %convert_element_type3A_983 : vector<16xi32>
    %swap3A_985 = arith.constant 368 : index
    %swap3A_986 = tpu.vector_load %arg10[%swap3A_985] {strides = array<i32>} : memref<512xi32, #tpu.memory_space<vmem>>, vector<16xi32>,
    tpu.vector_store %arg10[%swap3A_985], %add3A_984 {strides = array<i32>} : memref<512xi32, #tpu.memory_space<vmem>>, vector<16xi32>,
    %get3A_987 = arith.constant 384 : index
    %get3A_988 = tpu.vector_load %arg8[%get3A_987] {strides = array<i32>} : memref<512xi32, #tpu.memory_space<vmem>>, vector<16xi32>,
    %gather3A_989 = tpu.vector_load_idx %arg6[%get3A_988] : memref<2048xi32, #tpu.memory_space<vmem>>[vector<16xi32>], vector<16xi32>,
    %get3A_990 = arith.constant 384 : index
    %get3A_991 = tpu.vector_load %arg7[%get3A_990] {strides = array<i32>} : memref<512xi32, #tpu.memory_space<vmem>>, vector<16xi32>,
    %and3A_992 = arith.constant 15 : i32
    %and3A_993 = vector.broadcast %and3A_992 : i32 to vector<16xi32>
    %and3A_994 = arith.andi %get3A_991, %and3A_993 : vector<16xi32>
    %mul3A_995 = arith.constant 16 : i32
    %mul3A_996 = vector.broadcast %mul3A_995 : i32 to vector<16xi32>
    %mul3A_997 = arith.muli %and3A_994, %mul3A_996 : vector<16xi32>
    %shift_right_arithmetic3A_998 = arith.constant 4 : i32
    %shift_right_arithmetic3A_999 = vector.broadcast %shift_right_arithmetic3A_998 : i32 to vector<16xi32>
    %shift_right_arithmetic3A_1000 = arith.shrsi %get3A_991, %shift_right_arithmetic3A_999 : vector<16xi32>
    %add3A_1001 = arith.addi %mul3A_997, %shift_right_arithmetic3A_1000 : vector<16xi32>
    %get3A_1002 = arith.constant 384 : index
    %get3A_1003 = tpu.vector_load %arg9[%get3A_1002] {strides = array<i32>} : memref<512xi32, #tpu.memory_space<vmem>>, vector<16xi32>,
    %eq3A_1004 = arith.cmpi eq, %add3A_1001, %gather3A_989 : vector<16xi32>
    %and3A_1005 = arith.constant 1 : i32
    %and3A_1006 = vector.broadcast %and3A_1005 : i32 to vector<16xi32>
    %and3A_1007 = arith.andi %get3A_1003, %and3A_1006 : vector<16xi32>
    %ne3A_1008 = arith.constant 0 : i32
    %ne3A_1009 = vector.broadcast %ne3A_1008 : i32 to vector<16xi32>
    %ne3A_1010 = arith.cmpi ne, %and3A_1007, %ne3A_1009 : vector<16xi32>
    %and3A_1011 = arith.andi %eq3A_1004, %ne3A_1010 : vector<16xi1>
    %shift_right_arithmetic3A_1012 = arith.constant 1 : i32
    %shift_right_arithmetic3A_1013 = vector.broadcast %shift_right_arithmetic3A_1012 : i32 to vector<16xi32>
    %shift_right_arithmetic3A_1014 = arith.shrsi %get3A_1003, %shift_right_arithmetic3A_1013 : vector<16xi32>
    %ne3A_1015 = arith.constant 0 : i32
    %ne3A_1016 = vector.broadcast %ne3A_1015 : i32 to vector<16xi32>
    %ne3A_1017 = arith.cmpi ne, %shift_right_arithmetic3A_1014, %ne3A_1016 : vector<16xi32>
    %or3A_1018 = arith.ori %ne3A_1017, %and3A_1011 : vector<16xi1>
    %convert_element_type3A_1019 = arith.extui %or3A_1018 : vector<16xi1> to vector<16xi32>
    %mul3A_1020 = arith.constant 2 : i32
    %mul3A_1021 = vector.broadcast %mul3A_1020 : i32 to vector<16xi32>
    %mul3A_1022 = arith.muli %convert_element_type3A_1019, %mul3A_1021 : vector<16xi32>
    %convert_element_type3A_1023 = arith.extui %and3A_1011 : vector<16xi1> to vector<16xi32>
    %add3A_1024 = arith.addi %mul3A_1022, %convert_element_type3A_1023 : vector<16xi32>
    %swap3A_1025 = arith.constant 384 : index
    %swap3A_1026 = tpu.vector_load %arg10[%swap3A_1025] {strides = array<i32>} : memref<512xi32, #tpu.memory_space<vmem>>, vector<16xi32>,
    tpu.vector_store %arg10[%swap3A_1025], %add3A_1024 {strides = array<i32>} : memref<512xi32, #tpu.memory_space<vmem>>, vector<16xi32>,
    %get3A_1027 = arith.constant 400 : index
    %get3A_1028 = tpu.vector_load %arg8[%get3A_1027] {strides = array<i32>} : memref<512xi32, #tpu.memory_space<vmem>>, vector<16xi32>,
    %gather3A_1029 = tpu.vector_load_idx %arg6[%get3A_1028] : memref<2048xi32, #tpu.memory_space<vmem>>[vector<16xi32>], vector<16xi32>,
    %get3A_1030 = arith.constant 400 : index
    %get3A_1031 = tpu.vector_load %arg7[%get3A_1030] {strides = array<i32>} : memref<512xi32, #tpu.memory_space<vmem>>, vector<16xi32>,
    %and3A_1032 = arith.constant 15 : i32
    %and3A_1033 = vector.broadcast %and3A_1032 : i32 to vector<16xi32>
    %and3A_1034 = arith.andi %get3A_1031, %and3A_1033 : vector<16xi32>
    %mul3A_1035 = arith.constant 16 : i32
    %mul3A_1036 = vector.broadcast %mul3A_1035 : i32 to vector<16xi32>
    %mul3A_1037 = arith.muli %and3A_1034, %mul3A_1036 : vector<16xi32>
    %shift_right_arithmetic3A_1038 = arith.constant 4 : i32
    %shift_right_arithmetic3A_1039 = vector.broadcast %shift_right_arithmetic3A_1038 : i32 to vector<16xi32>
    %shift_right_arithmetic3A_1040 = arith.shrsi %get3A_1031, %shift_right_arithmetic3A_1039 : vector<16xi32>
    %add3A_1041 = arith.addi %mul3A_1037, %shift_right_arithmetic3A_1040 : vector<16xi32>
    %get3A_1042 = arith.constant 400 : index
    %get3A_1043 = tpu.vector_load %arg9[%get3A_1042] {strides = array<i32>} : memref<512xi32, #tpu.memory_space<vmem>>, vector<16xi32>,
    %eq3A_1044 = arith.cmpi eq, %add3A_1041, %gather3A_1029 : vector<16xi32>
    %and3A_1045 = arith.constant 1 : i32
    %and3A_1046 = vector.broadcast %and3A_1045 : i32 to vector<16xi32>
    %and3A_1047 = arith.andi %get3A_1043, %and3A_1046 : vector<16xi32>
    %ne3A_1048 = arith.constant 0 : i32
    %ne3A_1049 = vector.broadcast %ne3A_1048 : i32 to vector<16xi32>
    %ne3A_1050 = arith.cmpi ne, %and3A_1047, %ne3A_1049 : vector<16xi32>
    %and3A_1051 = arith.andi %eq3A_1044, %ne3A_1050 : vector<16xi1>
    %shift_right_arithmetic3A_1052 = arith.constant 1 : i32
    %shift_right_arithmetic3A_1053 = vector.broadcast %shift_right_arithmetic3A_1052 : i32 to vector<16xi32>
    %shift_right_arithmetic3A_1054 = arith.shrsi %get3A_1043, %shift_right_arithmetic3A_1053 : vector<16xi32>
    %ne3A_1055 = arith.constant 0 : i32
    %ne3A_1056 = vector.broadcast %ne3A_1055 : i32 to vector<16xi32>
    %ne3A_1057 = arith.cmpi ne, %shift_right_arithmetic3A_1054, %ne3A_1056 : vector<16xi32>
    %or3A_1058 = arith.ori %ne3A_1057, %and3A_1051 : vector<16xi1>
    %convert_element_type3A_1059 = arith.extui %or3A_1058 : vector<16xi1> to vector<16xi32>
    %mul3A_1060 = arith.constant 2 : i32
    %mul3A_1061 = vector.broadcast %mul3A_1060 : i32 to vector<16xi32>
    %mul3A_1062 = arith.muli %convert_element_type3A_1059, %mul3A_1061 : vector<16xi32>
    %convert_element_type3A_1063 = arith.extui %and3A_1051 : vector<16xi1> to vector<16xi32>
    %add3A_1064 = arith.addi %mul3A_1062, %convert_element_type3A_1063 : vector<16xi32>
    %swap3A_1065 = arith.constant 400 : index
    %swap3A_1066 = tpu.vector_load %arg10[%swap3A_1065] {strides = array<i32>} : memref<512xi32, #tpu.memory_space<vmem>>, vector<16xi32>,
    tpu.vector_store %arg10[%swap3A_1065], %add3A_1064 {strides = array<i32>} : memref<512xi32, #tpu.memory_space<vmem>>, vector<16xi32>,
    %get3A_1067 = arith.constant 416 : index
    %get3A_1068 = tpu.vector_load %arg8[%get3A_1067] {strides = array<i32>} : memref<512xi32, #tpu.memory_space<vmem>>, vector<16xi32>,
    %gather3A_1069 = tpu.vector_load_idx %arg6[%get3A_1068] : memref<2048xi32, #tpu.memory_space<vmem>>[vector<16xi32>], vector<16xi32>,
    %get3A_1070 = arith.constant 416 : index
    %get3A_1071 = tpu.vector_load %arg7[%get3A_1070] {strides = array<i32>} : memref<512xi32, #tpu.memory_space<vmem>>, vector<16xi32>,
    %and3A_1072 = arith.constant 15 : i32
    %and3A_1073 = vector.broadcast %and3A_1072 : i32 to vector<16xi32>
    %and3A_1074 = arith.andi %get3A_1071, %and3A_1073 : vector<16xi32>
    %mul3A_1075 = arith.constant 16 : i32
    %mul3A_1076 = vector.broadcast %mul3A_1075 : i32 to vector<16xi32>
    %mul3A_1077 = arith.muli %and3A_1074, %mul3A_1076 : vector<16xi32>
    %shift_right_arithmetic3A_1078 = arith.constant 4 : i32
    %shift_right_arithmetic3A_1079 = vector.broadcast %shift_right_arithmetic3A_1078 : i32 to vector<16xi32>
    %shift_right_arithmetic3A_1080 = arith.shrsi %get3A_1071, %shift_right_arithmetic3A_1079 : vector<16xi32>
    %add3A_1081 = arith.addi %mul3A_1077, %shift_right_arithmetic3A_1080 : vector<16xi32>
    %get3A_1082 = arith.constant 416 : index
    %get3A_1083 = tpu.vector_load %arg9[%get3A_1082] {strides = array<i32>} : memref<512xi32, #tpu.memory_space<vmem>>, vector<16xi32>,
    %eq3A_1084 = arith.cmpi eq, %add3A_1081, %gather3A_1069 : vector<16xi32>
    %and3A_1085 = arith.constant 1 : i32
    %and3A_1086 = vector.broadcast %and3A_1085 : i32 to vector<16xi32>
    %and3A_1087 = arith.andi %get3A_1083, %and3A_1086 : vector<16xi32>
    %ne3A_1088 = arith.constant 0 : i32
    %ne3A_1089 = vector.broadcast %ne3A_1088 : i32 to vector<16xi32>
    %ne3A_1090 = arith.cmpi ne, %and3A_1087, %ne3A_1089 : vector<16xi32>
    %and3A_1091 = arith.andi %eq3A_1084, %ne3A_1090 : vector<16xi1>
    %shift_right_arithmetic3A_1092 = arith.constant 1 : i32
    %shift_right_arithmetic3A_1093 = vector.broadcast %shift_right_arithmetic3A_1092 : i32 to vector<16xi32>
    %shift_right_arithmetic3A_1094 = arith.shrsi %get3A_1083, %shift_right_arithmetic3A_1093 : vector<16xi32>
    %ne3A_1095 = arith.constant 0 : i32
    %ne3A_1096 = vector.broadcast %ne3A_1095 : i32 to vector<16xi32>
    %ne3A_1097 = arith.cmpi ne, %shift_right_arithmetic3A_1094, %ne3A_1096 : vector<16xi32>
    %or3A_1098 = arith.ori %ne3A_1097, %and3A_1091 : vector<16xi1>
    %convert_element_type3A_1099 = arith.extui %or3A_1098 : vector<16xi1> to vector<16xi32>
    %mul3A_1100 = arith.constant 2 : i32
    %mul3A_1101 = vector.broadcast %mul3A_1100 : i32 to vector<16xi32>
    %mul3A_1102 = arith.muli %convert_element_type3A_1099, %mul3A_1101 : vector<16xi32>
    %convert_element_type3A_1103 = arith.extui %and3A_1091 : vector<16xi1> to vector<16xi32>
    %add3A_1104 = arith.addi %mul3A_1102, %convert_element_type3A_1103 : vector<16xi32>
    %swap3A_1105 = arith.constant 416 : index
    %swap3A_1106 = tpu.vector_load %arg10[%swap3A_1105] {strides = array<i32>} : memref<512xi32, #tpu.memory_space<vmem>>, vector<16xi32>,
    tpu.vector_store %arg10[%swap3A_1105], %add3A_1104 {strides = array<i32>} : memref<512xi32, #tpu.memory_space<vmem>>, vector<16xi32>,
    %get3A_1107 = arith.constant 432 : index
    %get3A_1108 = tpu.vector_load %arg8[%get3A_1107] {strides = array<i32>} : memref<512xi32, #tpu.memory_space<vmem>>, vector<16xi32>,
    %gather3A_1109 = tpu.vector_load_idx %arg6[%get3A_1108] : memref<2048xi32, #tpu.memory_space<vmem>>[vector<16xi32>], vector<16xi32>,
    %get3A_1110 = arith.constant 432 : index
    %get3A_1111 = tpu.vector_load %arg7[%get3A_1110] {strides = array<i32>} : memref<512xi32, #tpu.memory_space<vmem>>, vector<16xi32>,
    %and3A_1112 = arith.constant 15 : i32
    %and3A_1113 = vector.broadcast %and3A_1112 : i32 to vector<16xi32>
    %and3A_1114 = arith.andi %get3A_1111, %and3A_1113 : vector<16xi32>
    %mul3A_1115 = arith.constant 16 : i32
    %mul3A_1116 = vector.broadcast %mul3A_1115 : i32 to vector<16xi32>
    %mul3A_1117 = arith.muli %and3A_1114, %mul3A_1116 : vector<16xi32>
    %shift_right_arithmetic3A_1118 = arith.constant 4 : i32
    %shift_right_arithmetic3A_1119 = vector.broadcast %shift_right_arithmetic3A_1118 : i32 to vector<16xi32>
    %shift_right_arithmetic3A_1120 = arith.shrsi %get3A_1111, %shift_right_arithmetic3A_1119 : vector<16xi32>
    %add3A_1121 = arith.addi %mul3A_1117, %shift_right_arithmetic3A_1120 : vector<16xi32>
    %get3A_1122 = arith.constant 432 : index
    %get3A_1123 = tpu.vector_load %arg9[%get3A_1122] {strides = array<i32>} : memref<512xi32, #tpu.memory_space<vmem>>, vector<16xi32>,
    %eq3A_1124 = arith.cmpi eq, %add3A_1121, %gather3A_1109 : vector<16xi32>
    %and3A_1125 = arith.constant 1 : i32
    %and3A_1126 = vector.broadcast %and3A_1125 : i32 to vector<16xi32>
    %and3A_1127 = arith.andi %get3A_1123, %and3A_1126 : vector<16xi32>
    %ne3A_1128 = arith.constant 0 : i32
    %ne3A_1129 = vector.broadcast %ne3A_1128 : i32 to vector<16xi32>
    %ne3A_1130 = arith.cmpi ne, %and3A_1127, %ne3A_1129 : vector<16xi32>
    %and3A_1131 = arith.andi %eq3A_1124, %ne3A_1130 : vector<16xi1>
    %shift_right_arithmetic3A_1132 = arith.constant 1 : i32
    %shift_right_arithmetic3A_1133 = vector.broadcast %shift_right_arithmetic3A_1132 : i32 to vector<16xi32>
    %shift_right_arithmetic3A_1134 = arith.shrsi %get3A_1123, %shift_right_arithmetic3A_1133 : vector<16xi32>
    %ne3A_1135 = arith.constant 0 : i32
    %ne3A_1136 = vector.broadcast %ne3A_1135 : i32 to vector<16xi32>
    %ne3A_1137 = arith.cmpi ne, %shift_right_arithmetic3A_1134, %ne3A_1136 : vector<16xi32>
    %or3A_1138 = arith.ori %ne3A_1137, %and3A_1131 : vector<16xi1>
    %convert_element_type3A_1139 = arith.extui %or3A_1138 : vector<16xi1> to vector<16xi32>
    %mul3A_1140 = arith.constant 2 : i32
    %mul3A_1141 = vector.broadcast %mul3A_1140 : i32 to vector<16xi32>
    %mul3A_1142 = arith.muli %convert_element_type3A_1139, %mul3A_1141 : vector<16xi32>
    %convert_element_type3A_1143 = arith.extui %and3A_1131 : vector<16xi1> to vector<16xi32>
    %add3A_1144 = arith.addi %mul3A_1142, %convert_element_type3A_1143 : vector<16xi32>
    %swap3A_1145 = arith.constant 432 : index
    %swap3A_1146 = tpu.vector_load %arg10[%swap3A_1145] {strides = array<i32>} : memref<512xi32, #tpu.memory_space<vmem>>, vector<16xi32>,
    tpu.vector_store %arg10[%swap3A_1145], %add3A_1144 {strides = array<i32>} : memref<512xi32, #tpu.memory_space<vmem>>, vector<16xi32>,
    %get3A_1147 = arith.constant 448 : index
    %get3A_1148 = tpu.vector_load %arg8[%get3A_1147] {strides = array<i32>} : memref<512xi32, #tpu.memory_space<vmem>>, vector<16xi32>,
    %gather3A_1149 = tpu.vector_load_idx %arg6[%get3A_1148] : memref<2048xi32, #tpu.memory_space<vmem>>[vector<16xi32>], vector<16xi32>,
    %get3A_1150 = arith.constant 448 : index
    %get3A_1151 = tpu.vector_load %arg7[%get3A_1150] {strides = array<i32>} : memref<512xi32, #tpu.memory_space<vmem>>, vector<16xi32>,
    %and3A_1152 = arith.constant 15 : i32
    %and3A_1153 = vector.broadcast %and3A_1152 : i32 to vector<16xi32>
    %and3A_1154 = arith.andi %get3A_1151, %and3A_1153 : vector<16xi32>
    %mul3A_1155 = arith.constant 16 : i32
    %mul3A_1156 = vector.broadcast %mul3A_1155 : i32 to vector<16xi32>
    %mul3A_1157 = arith.muli %and3A_1154, %mul3A_1156 : vector<16xi32>
    %shift_right_arithmetic3A_1158 = arith.constant 4 : i32
    %shift_right_arithmetic3A_1159 = vector.broadcast %shift_right_arithmetic3A_1158 : i32 to vector<16xi32>
    %shift_right_arithmetic3A_1160 = arith.shrsi %get3A_1151, %shift_right_arithmetic3A_1159 : vector<16xi32>
    %add3A_1161 = arith.addi %mul3A_1157, %shift_right_arithmetic3A_1160 : vector<16xi32>
    %get3A_1162 = arith.constant 448 : index
    %get3A_1163 = tpu.vector_load %arg9[%get3A_1162] {strides = array<i32>} : memref<512xi32, #tpu.memory_space<vmem>>, vector<16xi32>,
    %eq3A_1164 = arith.cmpi eq, %add3A_1161, %gather3A_1149 : vector<16xi32>
    %and3A_1165 = arith.constant 1 : i32
    %and3A_1166 = vector.broadcast %and3A_1165 : i32 to vector<16xi32>
    %and3A_1167 = arith.andi %get3A_1163, %and3A_1166 : vector<16xi32>
    %ne3A_1168 = arith.constant 0 : i32
    %ne3A_1169 = vector.broadcast %ne3A_1168 : i32 to vector<16xi32>
    %ne3A_1170 = arith.cmpi ne, %and3A_1167, %ne3A_1169 : vector<16xi32>
    %and3A_1171 = arith.andi %eq3A_1164, %ne3A_1170 : vector<16xi1>
    %shift_right_arithmetic3A_1172 = arith.constant 1 : i32
    %shift_right_arithmetic3A_1173 = vector.broadcast %shift_right_arithmetic3A_1172 : i32 to vector<16xi32>
    %shift_right_arithmetic3A_1174 = arith.shrsi %get3A_1163, %shift_right_arithmetic3A_1173 : vector<16xi32>
    %ne3A_1175 = arith.constant 0 : i32
    %ne3A_1176 = vector.broadcast %ne3A_1175 : i32 to vector<16xi32>
    %ne3A_1177 = arith.cmpi ne, %shift_right_arithmetic3A_1174, %ne3A_1176 : vector<16xi32>
    %or3A_1178 = arith.ori %ne3A_1177, %and3A_1171 : vector<16xi1>
    %convert_element_type3A_1179 = arith.extui %or3A_1178 : vector<16xi1> to vector<16xi32>
    %mul3A_1180 = arith.constant 2 : i32
    %mul3A_1181 = vector.broadcast %mul3A_1180 : i32 to vector<16xi32>
    %mul3A_1182 = arith.muli %convert_element_type3A_1179, %mul3A_1181 : vector<16xi32>
    %convert_element_type3A_1183 = arith.extui %and3A_1171 : vector<16xi1> to vector<16xi32>
    %add3A_1184 = arith.addi %mul3A_1182, %convert_element_type3A_1183 : vector<16xi32>
    %swap3A_1185 = arith.constant 448 : index
    %swap3A_1186 = tpu.vector_load %arg10[%swap3A_1185] {strides = array<i32>} : memref<512xi32, #tpu.memory_space<vmem>>, vector<16xi32>,
    tpu.vector_store %arg10[%swap3A_1185], %add3A_1184 {strides = array<i32>} : memref<512xi32, #tpu.memory_space<vmem>>, vector<16xi32>,
    %get3A_1187 = arith.constant 464 : index
    %get3A_1188 = tpu.vector_load %arg8[%get3A_1187] {strides = array<i32>} : memref<512xi32, #tpu.memory_space<vmem>>, vector<16xi32>,
    %gather3A_1189 = tpu.vector_load_idx %arg6[%get3A_1188] : memref<2048xi32, #tpu.memory_space<vmem>>[vector<16xi32>], vector<16xi32>,
    %get3A_1190 = arith.constant 464 : index
    %get3A_1191 = tpu.vector_load %arg7[%get3A_1190] {strides = array<i32>} : memref<512xi32, #tpu.memory_space<vmem>>, vector<16xi32>,
    %and3A_1192 = arith.constant 15 : i32
    %and3A_1193 = vector.broadcast %and3A_1192 : i32 to vector<16xi32>
    %and3A_1194 = arith.andi %get3A_1191, %and3A_1193 : vector<16xi32>
    %mul3A_1195 = arith.constant 16 : i32
    %mul3A_1196 = vector.broadcast %mul3A_1195 : i32 to vector<16xi32>
    %mul3A_1197 = arith.muli %and3A_1194, %mul3A_1196 : vector<16xi32>
    %shift_right_arithmetic3A_1198 = arith.constant 4 : i32
    %shift_right_arithmetic3A_1199 = vector.broadcast %shift_right_arithmetic3A_1198 : i32 to vector<16xi32>
    %shift_right_arithmetic3A_1200 = arith.shrsi %get3A_1191, %shift_right_arithmetic3A_1199 : vector<16xi32>
    %add3A_1201 = arith.addi %mul3A_1197, %shift_right_arithmetic3A_1200 : vector<16xi32>
    %get3A_1202 = arith.constant 464 : index
    %get3A_1203 = tpu.vector_load %arg9[%get3A_1202] {strides = array<i32>} : memref<512xi32, #tpu.memory_space<vmem>>, vector<16xi32>,
    %eq3A_1204 = arith.cmpi eq, %add3A_1201, %gather3A_1189 : vector<16xi32>
    %and3A_1205 = arith.constant 1 : i32
    %and3A_1206 = vector.broadcast %and3A_1205 : i32 to vector<16xi32>
    %and3A_1207 = arith.andi %get3A_1203, %and3A_1206 : vector<16xi32>
    %ne3A_1208 = arith.constant 0 : i32
    %ne3A_1209 = vector.broadcast %ne3A_1208 : i32 to vector<16xi32>
    %ne3A_1210 = arith.cmpi ne, %and3A_1207, %ne3A_1209 : vector<16xi32>
    %and3A_1211 = arith.andi %eq3A_1204, %ne3A_1210 : vector<16xi1>
    %shift_right_arithmetic3A_1212 = arith.constant 1 : i32
    %shift_right_arithmetic3A_1213 = vector.broadcast %shift_right_arithmetic3A_1212 : i32 to vector<16xi32>
    %shift_right_arithmetic3A_1214 = arith.shrsi %get3A_1203, %shift_right_arithmetic3A_1213 : vector<16xi32>
    %ne3A_1215 = arith.constant 0 : i32
    %ne3A_1216 = vector.broadcast %ne3A_1215 : i32 to vector<16xi32>
    %ne3A_1217 = arith.cmpi ne, %shift_right_arithmetic3A_1214, %ne3A_1216 : vector<16xi32>
    %or3A_1218 = arith.ori %ne3A_1217, %and3A_1211 : vector<16xi1>
    %convert_element_type3A_1219 = arith.extui %or3A_1218 : vector<16xi1> to vector<16xi32>
    %mul3A_1220 = arith.constant 2 : i32
    %mul3A_1221 = vector.broadcast %mul3A_1220 : i32 to vector<16xi32>
    %mul3A_1222 = arith.muli %convert_element_type3A_1219, %mul3A_1221 : vector<16xi32>
    %convert_element_type3A_1223 = arith.extui %and3A_1211 : vector<16xi1> to vector<16xi32>
    %add3A_1224 = arith.addi %mul3A_1222, %convert_element_type3A_1223 : vector<16xi32>
    %swap3A_1225 = arith.constant 464 : index
    %swap3A_1226 = tpu.vector_load %arg10[%swap3A_1225] {strides = array<i32>} : memref<512xi32, #tpu.memory_space<vmem>>, vector<16xi32>,
    tpu.vector_store %arg10[%swap3A_1225], %add3A_1224 {strides = array<i32>} : memref<512xi32, #tpu.memory_space<vmem>>, vector<16xi32>,
    %get3A_1227 = arith.constant 480 : index
    %get3A_1228 = tpu.vector_load %arg8[%get3A_1227] {strides = array<i32>} : memref<512xi32, #tpu.memory_space<vmem>>, vector<16xi32>,
    %gather3A_1229 = tpu.vector_load_idx %arg6[%get3A_1228] : memref<2048xi32, #tpu.memory_space<vmem>>[vector<16xi32>], vector<16xi32>,
    %get3A_1230 = arith.constant 480 : index
    %get3A_1231 = tpu.vector_load %arg7[%get3A_1230] {strides = array<i32>} : memref<512xi32, #tpu.memory_space<vmem>>, vector<16xi32>,
    %and3A_1232 = arith.constant 15 : i32
    %and3A_1233 = vector.broadcast %and3A_1232 : i32 to vector<16xi32>
    %and3A_1234 = arith.andi %get3A_1231, %and3A_1233 : vector<16xi32>
    %mul3A_1235 = arith.constant 16 : i32
    %mul3A_1236 = vector.broadcast %mul3A_1235 : i32 to vector<16xi32>
    %mul3A_1237 = arith.muli %and3A_1234, %mul3A_1236 : vector<16xi32>
    %shift_right_arithmetic3A_1238 = arith.constant 4 : i32
    %shift_right_arithmetic3A_1239 = vector.broadcast %shift_right_arithmetic3A_1238 : i32 to vector<16xi32>
    %shift_right_arithmetic3A_1240 = arith.shrsi %get3A_1231, %shift_right_arithmetic3A_1239 : vector<16xi32>
    %add3A_1241 = arith.addi %mul3A_1237, %shift_right_arithmetic3A_1240 : vector<16xi32>
    %get3A_1242 = arith.constant 480 : index
    %get3A_1243 = tpu.vector_load %arg9[%get3A_1242] {strides = array<i32>} : memref<512xi32, #tpu.memory_space<vmem>>, vector<16xi32>,
    %eq3A_1244 = arith.cmpi eq, %add3A_1241, %gather3A_1229 : vector<16xi32>
    %and3A_1245 = arith.constant 1 : i32
    %and3A_1246 = vector.broadcast %and3A_1245 : i32 to vector<16xi32>
    %and3A_1247 = arith.andi %get3A_1243, %and3A_1246 : vector<16xi32>
    %ne3A_1248 = arith.constant 0 : i32
    %ne3A_1249 = vector.broadcast %ne3A_1248 : i32 to vector<16xi32>
    %ne3A_1250 = arith.cmpi ne, %and3A_1247, %ne3A_1249 : vector<16xi32>
    %and3A_1251 = arith.andi %eq3A_1244, %ne3A_1250 : vector<16xi1>
    %shift_right_arithmetic3A_1252 = arith.constant 1 : i32
    %shift_right_arithmetic3A_1253 = vector.broadcast %shift_right_arithmetic3A_1252 : i32 to vector<16xi32>
    %shift_right_arithmetic3A_1254 = arith.shrsi %get3A_1243, %shift_right_arithmetic3A_1253 : vector<16xi32>
    %ne3A_1255 = arith.constant 0 : i32
    %ne3A_1256 = vector.broadcast %ne3A_1255 : i32 to vector<16xi32>
    %ne3A_1257 = arith.cmpi ne, %shift_right_arithmetic3A_1254, %ne3A_1256 : vector<16xi32>
    %or3A_1258 = arith.ori %ne3A_1257, %and3A_1251 : vector<16xi1>
    %convert_element_type3A_1259 = arith.extui %or3A_1258 : vector<16xi1> to vector<16xi32>
    %mul3A_1260 = arith.constant 2 : i32
    %mul3A_1261 = vector.broadcast %mul3A_1260 : i32 to vector<16xi32>
    %mul3A_1262 = arith.muli %convert_element_type3A_1259, %mul3A_1261 : vector<16xi32>
    %convert_element_type3A_1263 = arith.extui %and3A_1251 : vector<16xi1> to vector<16xi32>
    %add3A_1264 = arith.addi %mul3A_1262, %convert_element_type3A_1263 : vector<16xi32>
    %swap3A_1265 = arith.constant 480 : index
    %swap3A_1266 = tpu.vector_load %arg10[%swap3A_1265] {strides = array<i32>} : memref<512xi32, #tpu.memory_space<vmem>>, vector<16xi32>,
    tpu.vector_store %arg10[%swap3A_1265], %add3A_1264 {strides = array<i32>} : memref<512xi32, #tpu.memory_space<vmem>>, vector<16xi32>,
    %get3A_1267 = arith.constant 496 : index
    %get3A_1268 = tpu.vector_load %arg8[%get3A_1267] {strides = array<i32>} : memref<512xi32, #tpu.memory_space<vmem>>, vector<16xi32>,
    %gather3A_1269 = tpu.vector_load_idx %arg6[%get3A_1268] : memref<2048xi32, #tpu.memory_space<vmem>>[vector<16xi32>], vector<16xi32>,
    %get3A_1270 = arith.constant 496 : index
    %get3A_1271 = tpu.vector_load %arg7[%get3A_1270] {strides = array<i32>} : memref<512xi32, #tpu.memory_space<vmem>>, vector<16xi32>,
    %and3A_1272 = arith.constant 15 : i32
    %and3A_1273 = vector.broadcast %and3A_1272 : i32 to vector<16xi32>
    %and3A_1274 = arith.andi %get3A_1271, %and3A_1273 : vector<16xi32>
    %mul3A_1275 = arith.constant 16 : i32
    %mul3A_1276 = vector.broadcast %mul3A_1275 : i32 to vector<16xi32>
    %mul3A_1277 = arith.muli %and3A_1274, %mul3A_1276 : vector<16xi32>
    %shift_right_arithmetic3A_1278 = arith.constant 4 : i32
    %shift_right_arithmetic3A_1279 = vector.broadcast %shift_right_arithmetic3A_1278 : i32 to vector<16xi32>
    %shift_right_arithmetic3A_1280 = arith.shrsi %get3A_1271, %shift_right_arithmetic3A_1279 : vector<16xi32>
    %add3A_1281 = arith.addi %mul3A_1277, %shift_right_arithmetic3A_1280 : vector<16xi32>
    %get3A_1282 = arith.constant 496 : index
    %get3A_1283 = tpu.vector_load %arg9[%get3A_1282] {strides = array<i32>} : memref<512xi32, #tpu.memory_space<vmem>>, vector<16xi32>,
    %eq3A_1284 = arith.cmpi eq, %add3A_1281, %gather3A_1269 : vector<16xi32>
    %and3A_1285 = arith.constant 1 : i32
    %and3A_1286 = vector.broadcast %and3A_1285 : i32 to vector<16xi32>
    %and3A_1287 = arith.andi %get3A_1283, %and3A_1286 : vector<16xi32>
    %ne3A_1288 = arith.constant 0 : i32
    %ne3A_1289 = vector.broadcast %ne3A_1288 : i32 to vector<16xi32>
    %ne3A_1290 = arith.cmpi ne, %and3A_1287, %ne3A_1289 : vector<16xi32>
    %and3A_1291 = arith.andi %eq3A_1284, %ne3A_1290 : vector<16xi1>
    %shift_right_arithmetic3A_1292 = arith.constant 1 : i32
    %shift_right_arithmetic3A_1293 = vector.broadcast %shift_right_arithmetic3A_1292 : i32 to vector<16xi32>
    %shift_right_arithmetic3A_1294 = arith.shrsi %get3A_1283, %shift_right_arithmetic3A_1293 : vector<16xi32>
    %ne3A_1295 = arith.constant 0 : i32
    %ne3A_1296 = vector.broadcast %ne3A_1295 : i32 to vector<16xi32>
    %ne3A_1297 = arith.cmpi ne, %shift_right_arithmetic3A_1294, %ne3A_1296 : vector<16xi32>
    %or3A_1298 = arith.ori %ne3A_1297, %and3A_1291 : vector<16xi1>
    %convert_element_type3A_1299 = arith.extui %or3A_1298 : vector<16xi1> to vector<16xi32>
    %mul3A_1300 = arith.constant 2 : i32
    %mul3A_1301 = vector.broadcast %mul3A_1300 : i32 to vector<16xi32>
    %mul3A_1302 = arith.muli %convert_element_type3A_1299, %mul3A_1301 : vector<16xi32>
    %convert_element_type3A_1303 = arith.extui %and3A_1291 : vector<16xi1> to vector<16xi32>
    %add3A_1304 = arith.addi %mul3A_1302, %convert_element_type3A_1303 : vector<16xi32>
    %swap3A_1305 = arith.constant 496 : index
    %swap3A_1306 = tpu.vector_load %arg10[%swap3A_1305] {strides = array<i32>} : memref<512xi32, #tpu.memory_space<vmem>>, vector<16xi32>,
    tpu.vector_store %arg10[%swap3A_1305], %add3A_1304 {strides = array<i32>} : memref<512xi32, #tpu.memory_space<vmem>>, vector<16xi32>,
    "tpu.region"() ({
      %run_scoped3A = tpu.sem_alloc : memref<!tpu.dma_semaphore, #tpu.memory_space<semaphore_mem>>
      %dma_start3A = tpu.memref_slice %arg5[%select_n3A, %mul3A_32] : memref<8x2048xi32, #tpu.memory_space<hbm>> -> memref<1x512xi32, #tpu.memory_space<hbm>>
      %dma_start3A_1307 = tpu.memref_squeeze %dma_start3A : memref<1x512xi32, #tpu.memory_space<hbm>> -> memref<512xi32, #tpu.memory_space<hbm>>
      %dma_start3A_1308 = tpu.memref_slice %arg5[%select_n3A, %mul3A_32] : memref<8x2048xi32, #tpu.memory_space<hbm>> -> memref<1x512xi32, #tpu.memory_space<hbm>>
      %dma_start3A_1309 = tpu.memref_squeeze %dma_start3A_1308 : memref<1x512xi32, #tpu.memory_space<hbm>> -> memref<512xi32, #tpu.memory_space<hbm>>
      tpu.enqueue_dma source(%arg10 : memref<512xi32, #tpu.memory_space<vmem>>) target(%dma_start3A_1309 : memref<512xi32, #tpu.memory_space<hbm>>) target_semaphore(%run_scoped3A : memref<!tpu.dma_semaphore, #tpu.memory_space<semaphore_mem>>)
      %dma_wait3A = tpu.memref_slice %arg5[%select_n3A, %mul3A_32] : memref<8x2048xi32, #tpu.memory_space<hbm>> -> memref<1x512xi32, #tpu.memory_space<hbm>>
      %dma_wait3A_1310 = tpu.memref_squeeze %dma_wait3A : memref<1x512xi32, #tpu.memory_space<hbm>> -> memref<512xi32, #tpu.memory_space<hbm>>
      %dma_wait3A_1311 = tpu.memref_slice %arg5[%select_n3A, %mul3A_32] : memref<8x2048xi32, #tpu.memory_space<hbm>> -> memref<1x512xi32, #tpu.memory_space<hbm>>
      %dma_wait3A_1312 = tpu.memref_squeeze %dma_wait3A_1311 : memref<1x512xi32, #tpu.memory_space<hbm>> -> memref<512xi32, #tpu.memory_space<hbm>>
      tpu.wait_dma2 semaphore(%run_scoped3A : memref<!tpu.dma_semaphore, #tpu.memory_space<semaphore_mem>>) src(%arg10 : memref<512xi32, #tpu.memory_space<vmem>>) dst(%dma_wait3A_1312 : memref<512xi32, #tpu.memory_space<hbm>>)
      tpu.yield
    }) : () -> ()
    return
  }
}

module attributes {stable_mosaic.version = 14 : i64} {
  func.func @_tc_main_body(%arg0: i32, %arg1: i32, %arg2: memref<1x13x512xf32, #tpu.memory_space<vmem>>, %arg3: memref<8x512xi32, #tpu.memory_space<vmem>>, %arg4: memref<8x512xf32, #tpu.memory_space<vmem>>, %arg5: memref<1x13x512xf32, #tpu.memory_space<vmem>>, %arg6: memref<1x512x3xf32, #tpu.memory_space<vmem>>, %arg7: memref<1x3x2048xf32, #tpu.memory_space<vmem>>, %arg8: memref<8x512xf32, #tpu.memory_space<vmem>>, %arg9: memref<8x512xi32, #tpu.memory_space<vmem>>, %arg10: memref<8x512xi32, #tpu.memory_space<vmem>>, %arg11: memref<8x512xi32, #tpu.memory_space<vmem>>) attributes {dimension_semantics = [#tpu.dimension_semantics<arbitrary>, #tpu.dimension_semantics<arbitrary>], iteration_bounds = array<i64: 4, 8>, scalar_prefetch = 0 : i64, scratch_operands = 0 : i64, tpu.core_type = #tpu.core_type<tc>, window_params = [{transform_indices = @transform_0, window_bounds = array<i64: 1, 13, 512>}, {transform_indices = @transform_1, window_bounds = array<i64: 8, 512>}, {transform_indices = @transform_2, window_bounds = array<i64: 8, 512>}, {transform_indices = @transform_3, window_bounds = array<i64: 1, 13, 512>}, {transform_indices = @transform_4, window_bounds = array<i64: 1, 512, 3>}, {transform_indices = @transform_5, window_bounds = array<i64: 1, 3, 2048>}, {transform_indices = @transform_6, window_bounds = array<i64: 8, 512>}, {transform_indices = @transform_7, window_bounds = array<i64: 8, 512>}, {transform_indices = @transform_8, window_bounds = array<i64: 8, 512>}, {transform_indices = @transform_9, window_bounds = array<i64: 8, 512>}]} {
    %get3A = arith.constant 0 : index
    %get3A_0 = arith.constant 0 : index
    %get3A_1 = arith.constant 0 : index
    %get3A_2 = vector.load %arg2[%get3A, %get3A_0, %get3A_1] : memref<1x13x512xf32, #tpu.memory_space<vmem>>, vector<1x13x512xf32>
    %get3A_3 = vector.shape_cast %get3A_2 : vector<1x13x512xf32> to vector<13x512xf32>
    %get3A_4 = arith.constant 0 : index
    %get3A_5 = arith.constant 0 : index
    %get3A_6 = arith.constant 0 : index
    %get3A_7 = vector.load %arg5[%get3A_4, %get3A_5, %get3A_6] : memref<1x13x512xf32, #tpu.memory_space<vmem>>, vector<1x13x512xf32>
    %get3A_8 = vector.shape_cast %get3A_7 : vector<1x13x512xf32> to vector<13x512xf32>
    %get3A_9 = arith.constant 0 : index
    %get3A_10 = arith.constant 0 : index
    %get3A_11 = arith.constant 0 : index
    %get3A_12 = vector.load %arg6[%get3A_9, %get3A_10, %get3A_11] : memref<1x512x3xf32, #tpu.memory_space<vmem>>, vector<1x512x3xf32>
    %get3A_13 = vector.shape_cast %get3A_12 : vector<1x512x3xf32> to vector<512x3xf32>
    %get3A_14 = arith.constant 0 : index
    %get3A_15 = arith.constant 0 : index
    %get3A_16 = arith.constant 0 : index
    %get3A_17 = vector.load %arg7[%get3A_14, %get3A_15, %get3A_16] : memref<1x3x2048xf32, #tpu.memory_space<vmem>>, vector<1x3x2048xf32>
    %get3A_18 = vector.shape_cast %get3A_17 : vector<1x3x2048xf32> to vector<3x2048xf32>
    %iota3A = tpu.iota {dimensions = array<i32: 0>} : vector<8x512xi32>
    %eq3A = vector.broadcast %arg1 : i32 to vector<8x512xi32>
    %eq3A_19 = arith.cmpi eq, %iota3A, %eq3A : vector<8x512xi32>
    %get3A_20 = arith.constant 0 : index
    %get3A_21 = arith.constant 0 : index
    %get3A_22 = vector.load %arg3[%get3A_20, %get3A_21] : memref<8x512xi32, #tpu.memory_space<vmem>>, vector<8x512xi32>
    %jit3A = arith.constant 0 : i32
    %broadcast_in_dim3A = vector.broadcast %jit3A : i32 to vector<8x512xi32>
    %select_n3A = arith.select %eq3A_19, %get3A_22, %broadcast_in_dim3A : vector<8x512xi1>, vector<8x512xi32>
    %reduce_sum3A = arith.constant dense<0> : vector<512xi32>
    %reduce_sum3A_23 = vector.multi_reduction <add>, %select_n3A, %reduce_sum3A [0] : vector<8x512xi32> to vector<512xi32>
    %broadcast_in_dim3A_24 = vector.shape_cast %reduce_sum3A_23 : vector<512xi32> to vector<1x512xi32>
    %get3A_25 = arith.constant 0 : index
    %get3A_26 = arith.constant 0 : index
    %get3A_27 = vector.load %arg4[%get3A_25, %get3A_26] : memref<8x512xf32, #tpu.memory_space<vmem>>, vector<8x512xf32>
    %jit3A_28 = arith.constant 0.000000e+00 : f32
    %broadcast_in_dim3A_29 = vector.broadcast %jit3A_28 : f32 to vector<8x512xf32>
    %select_n3A_30 = arith.select %eq3A_19, %get3A_27, %broadcast_in_dim3A_29 : vector<8x512xi1>, vector<8x512xf32>
    %reduce_sum3A_31 = arith.constant dense<0.000000e+00> : vector<512xf32>
    %reduce_sum3A_32 = vector.multi_reduction <add>, %select_n3A_30, %reduce_sum3A_31 [0] : vector<8x512xf32> to vector<512xf32>
    %broadcast_in_dim3A_33 = vector.shape_cast %reduce_sum3A_32 : vector<512xf32> to vector<1x512xf32>
    %iota3A_34 = tpu.iota {dimensions = array<i32: 0>} : vector<13x512xi32>
    %eq3A_35 = vector.broadcast %broadcast_in_dim3A_24 : vector<1x512xi32> to vector<13x512xi32>
    %eq3A_36 = arith.cmpi eq, %iota3A_34, %eq3A_35 : vector<13x512xi32>
    %convert_element_type3A = arith.extui %eq3A_36 : vector<13x512xi1> to vector<13x512xi32>
    %convert_element_type3A_37 = arith.sitofp %convert_element_type3A : vector<13x512xi32> to vector<13x512xf32>
    %neg3A = arith.constant 0.000000e+00 : f32
    %neg3A_38 = vector.broadcast %neg3A : f32 to vector<13x512xf32>
    %neg3A_39 = arith.subf %neg3A_38, %get3A_3 : vector<13x512xf32>
    %exp3A = math.exp %neg3A_39 : vector<13x512xf32>
    %add3A = arith.constant 1.000000e+00 : f32
    %add3A_40 = vector.broadcast %add3A : f32 to vector<13x512xf32>
    %add3A_41 = arith.addf %add3A_40, %exp3A : vector<13x512xf32>
    %div3A = arith.constant 1.000000e+00 : f32
    %div3A_42 = vector.broadcast %div3A : f32 to vector<13x512xf32>
    %div3A_43 = arith.divf %div3A_42, %add3A_41 : vector<13x512xf32>
    %max3A = arith.constant 0.000000e+00 : f32
    %max3A_44 = vector.broadcast %max3A : f32 to vector<13x512xf32>
    %max3A_45 = arith.maximumf %get3A_3, %max3A_44 : vector<13x512xf32>
    %mul3A = arith.mulf %get3A_3, %convert_element_type3A_37 : vector<13x512xf32>
    %sub3A = arith.subf %max3A_45, %mul3A : vector<13x512xf32>
    %abs3A = math.absf %get3A_3 : vector<13x512xf32>
    %neg3A_46 = arith.constant 0.000000e+00 : f32
    %neg3A_47 = vector.broadcast %neg3A_46 : f32 to vector<13x512xf32>
    %neg3A_48 = arith.subf %neg3A_47, %abs3A : vector<13x512xf32>
    %exp3A_49 = math.exp %neg3A_48 : vector<13x512xf32>
    %log1p3A = math.log1p %exp3A_49 : vector<13x512xf32>
    %add3A_50 = arith.addf %sub3A, %log1p3A : vector<13x512xf32>
    %mul3A_51 = arith.mulf %convert_element_type3A_37, %div3A_43 : vector<13x512xf32>
    %sub3A_52 = arith.constant 1.000000e+00 : f32
    %sub3A_53 = vector.broadcast %sub3A_52 : f32 to vector<13x512xf32>
    %sub3A_54 = arith.subf %sub3A_53, %convert_element_type3A_37 : vector<13x512xf32>
    %sub3A_55 = arith.constant 1.000000e+00 : f32
    %sub3A_56 = vector.broadcast %sub3A_55 : f32 to vector<13x512xf32>
    %sub3A_57 = arith.subf %sub3A_56, %div3A_43 : vector<13x512xf32>
    %mul3A_58 = arith.mulf %sub3A_54, %sub3A_57 : vector<13x512xf32>
    %add3A_59 = arith.addf %mul3A_51, %mul3A_58 : vector<13x512xf32>
    %sub3A_60 = arith.constant 1.000000e+00 : f32
    %sub3A_61 = vector.broadcast %sub3A_60 : f32 to vector<13x512xf32>
    %sub3A_62 = arith.subf %sub3A_61, %add3A_59 : vector<13x512xf32>
    %mul3A_63 = arith.constant 2.500000e-01 : f32
    %mul3A_64 = vector.broadcast %mul3A_63 : f32 to vector<13x512xf32>
    %mul3A_65 = arith.mulf %mul3A_64, %convert_element_type3A_37 : vector<13x512xf32>
    %sub3A_66 = arith.constant 1.000000e+00 : f32
    %sub3A_67 = vector.broadcast %sub3A_66 : f32 to vector<13x512xf32>
    %sub3A_68 = arith.subf %sub3A_67, %convert_element_type3A_37 : vector<13x512xf32>
    %mul3A_69 = arith.constant 7.500000e-01 : f32
    %mul3A_70 = vector.broadcast %mul3A_69 : f32 to vector<13x512xf32>
    %mul3A_71 = arith.mulf %mul3A_70, %sub3A_68 : vector<13x512xf32>
    %add3A_72 = arith.addf %mul3A_65, %mul3A_71 : vector<13x512xf32>
    %mul3A_73 = arith.mulf %add3A_72, %add3A_50 : vector<13x512xf32>
    %mul3A_74 = arith.mulf %mul3A_73, %sub3A_62 : vector<13x512xf32>
    %mul3A_75 = arith.mulf %mul3A_74, %sub3A_62 : vector<13x512xf32>
    %mul3A_76 = arith.constant 1.000000e+00 : f32
    %mul3A_77 = vector.broadcast %mul3A_76 : f32 to vector<13x512xf32>
    %mul3A_78 = arith.mulf %mul3A_77, %sub3A_62 : vector<13x512xf32>
    %mul3A_79 = arith.mulf %mul3A_78, %sub3A_62 : vector<13x512xf32>
    %mul3A_80 = arith.mulf %mul3A_79, %sub3A_62 : vector<13x512xf32>
    %add3A_81 = arith.addf %mul3A_75, %mul3A_80 : vector<13x512xf32>
    %reduce_sum3A_82 = arith.constant dense<0.000000e+00> : vector<512xf32>
    %reduce_sum3A_83 = vector.multi_reduction <add>, %add3A_81, %reduce_sum3A_82 [0] : vector<13x512xf32> to vector<512xf32>
    %broadcast_in_dim3A_84 = vector.shape_cast %reduce_sum3A_83 : vector<512xf32> to vector<1x512xf32>
    %swap3A = arith.index_cast %arg1 : i32 to index
    %swap3A_85 = arith.constant 0 : index
    %swap3A_86 = vector.load %arg8[%swap3A, %swap3A_85] : memref<8x512xf32, #tpu.memory_space<vmem>>, vector<1x512xf32>
    tpu.vector_store %arg8[%swap3A, %swap3A_85], %broadcast_in_dim3A_84 {strides = array<i32>} : memref<8x512xf32, #tpu.memory_space<vmem>>, vector<1x512xf32>,
    %slice3A = vector.extract_strided_slice %get3A_8 {offsets = [0, 0], sizes = [1, 512], strides = [1, 1]} : vector<13x512xf32> to vector<1x512xf32>
    %broadcast_in_dim3A_87 = arith.constant 0 : i32
    %broadcast_in_dim3A_88 = vector.broadcast %broadcast_in_dim3A_87 : i32 to vector<1x512xi32>
    %broadcast_in_dim3A_89 = arith.constant -1.000000e+00 : f32
    %broadcast_in_dim3A_90 = vector.broadcast %broadcast_in_dim3A_89 : f32 to vector<1x512xf32>
    %broadcast_in_dim3A_91 = arith.constant 0 : i32
    %broadcast_in_dim3A_92 = vector.broadcast %broadcast_in_dim3A_91 : i32 to vector<1x512xi32>
    %slice3A_93 = vector.extract_strided_slice %get3A_8 {offsets = [1, 0], sizes = [1, 512], strides = [1, 1]} : vector<13x512xf32> to vector<1x512xf32>
    %broadcast_in_dim3A_94 = arith.constant 1 : i32
    %broadcast_in_dim3A_95 = vector.broadcast %broadcast_in_dim3A_94 : i32 to vector<1x512xi32>
    %gt3A = arith.cmpf ogt, %slice3A_93, %slice3A : vector<1x512xf32>
    %gt3A_96 = arith.cmpf ogt, %slice3A_93, %broadcast_in_dim3A_90 : vector<1x512xf32>
    %select_n3A_97 = arith.select %gt3A_96, %slice3A_93, %broadcast_in_dim3A_90 : vector<1x512xi1>, vector<1x512xf32>
    %select_n3A_98 = arith.select %gt3A, %slice3A, %select_n3A_97 : vector<1x512xi1>, vector<1x512xf32>
    %select_n3A_99 = arith.select %gt3A_96, %broadcast_in_dim3A_95, %broadcast_in_dim3A_92 : vector<1x512xi1>, vector<1x512xi32>
    %select_n3A_100 = arith.select %gt3A, %broadcast_in_dim3A_88, %select_n3A_99 : vector<1x512xi1>, vector<1x512xi32>
    %select_n3A_101 = arith.select %gt3A, %slice3A_93, %slice3A : vector<1x512xi1>, vector<1x512xf32>
    %select_n3A_102 = arith.select %gt3A, %broadcast_in_dim3A_95, %broadcast_in_dim3A_88 : vector<1x512xi1>, vector<1x512xi32>
    %slice3A_103 = vector.extract_strided_slice %get3A_8 {offsets = [2, 0], sizes = [1, 512], strides = [1, 1]} : vector<13x512xf32> to vector<1x512xf32>
    %broadcast_in_dim3A_104 = arith.constant 2 : i32
    %broadcast_in_dim3A_105 = vector.broadcast %broadcast_in_dim3A_104 : i32 to vector<1x512xi32>
    %gt3A_106 = arith.cmpf ogt, %slice3A_103, %select_n3A_101 : vector<1x512xf32>
    %gt3A_107 = arith.cmpf ogt, %slice3A_103, %select_n3A_98 : vector<1x512xf32>
    %select_n3A_108 = arith.select %gt3A_107, %slice3A_103, %select_n3A_98 : vector<1x512xi1>, vector<1x512xf32>
    %select_n3A_109 = arith.select %gt3A_106, %select_n3A_101, %select_n3A_108 : vector<1x512xi1>, vector<1x512xf32>
    %select_n3A_110 = arith.select %gt3A_107, %broadcast_in_dim3A_105, %select_n3A_100 : vector<1x512xi1>, vector<1x512xi32>
    %select_n3A_111 = arith.select %gt3A_106, %select_n3A_102, %select_n3A_110 : vector<1x512xi1>, vector<1x512xi32>
    %select_n3A_112 = arith.select %gt3A_106, %slice3A_103, %select_n3A_101 : vector<1x512xi1>, vector<1x512xf32>
    %select_n3A_113 = arith.select %gt3A_106, %broadcast_in_dim3A_105, %select_n3A_102 : vector<1x512xi1>, vector<1x512xi32>
    %slice3A_114 = vector.extract_strided_slice %get3A_8 {offsets = [3, 0], sizes = [1, 512], strides = [1, 1]} : vector<13x512xf32> to vector<1x512xf32>
    %broadcast_in_dim3A_115 = arith.constant 3 : i32
    %broadcast_in_dim3A_116 = vector.broadcast %broadcast_in_dim3A_115 : i32 to vector<1x512xi32>
    %gt3A_117 = arith.cmpf ogt, %slice3A_114, %select_n3A_112 : vector<1x512xf32>
    %gt3A_118 = arith.cmpf ogt, %slice3A_114, %select_n3A_109 : vector<1x512xf32>
    %select_n3A_119 = arith.select %gt3A_118, %slice3A_114, %select_n3A_109 : vector<1x512xi1>, vector<1x512xf32>
    %select_n3A_120 = arith.select %gt3A_117, %select_n3A_112, %select_n3A_119 : vector<1x512xi1>, vector<1x512xf32>
    %select_n3A_121 = arith.select %gt3A_118, %broadcast_in_dim3A_116, %select_n3A_111 : vector<1x512xi1>, vector<1x512xi32>
    %select_n3A_122 = arith.select %gt3A_117, %select_n3A_113, %select_n3A_121 : vector<1x512xi1>, vector<1x512xi32>
    %select_n3A_123 = arith.select %gt3A_117, %slice3A_114, %select_n3A_112 : vector<1x512xi1>, vector<1x512xf32>
    %select_n3A_124 = arith.select %gt3A_117, %broadcast_in_dim3A_116, %select_n3A_113 : vector<1x512xi1>, vector<1x512xi32>
    %slice3A_125 = vector.extract_strided_slice %get3A_8 {offsets = [4, 0], sizes = [1, 512], strides = [1, 1]} : vector<13x512xf32> to vector<1x512xf32>
    %broadcast_in_dim3A_126 = arith.constant 4 : i32
    %broadcast_in_dim3A_127 = vector.broadcast %broadcast_in_dim3A_126 : i32 to vector<1x512xi32>
    %gt3A_128 = arith.cmpf ogt, %slice3A_125, %select_n3A_123 : vector<1x512xf32>
    %gt3A_129 = arith.cmpf ogt, %slice3A_125, %select_n3A_120 : vector<1x512xf32>
    %select_n3A_130 = arith.select %gt3A_129, %slice3A_125, %select_n3A_120 : vector<1x512xi1>, vector<1x512xf32>
    %select_n3A_131 = arith.select %gt3A_128, %select_n3A_123, %select_n3A_130 : vector<1x512xi1>, vector<1x512xf32>
    %select_n3A_132 = arith.select %gt3A_129, %broadcast_in_dim3A_127, %select_n3A_122 : vector<1x512xi1>, vector<1x512xi32>
    %select_n3A_133 = arith.select %gt3A_128, %select_n3A_124, %select_n3A_132 : vector<1x512xi1>, vector<1x512xi32>
    %select_n3A_134 = arith.select %gt3A_128, %slice3A_125, %select_n3A_123 : vector<1x512xi1>, vector<1x512xf32>
    %select_n3A_135 = arith.select %gt3A_128, %broadcast_in_dim3A_127, %select_n3A_124 : vector<1x512xi1>, vector<1x512xi32>
    %slice3A_136 = vector.extract_strided_slice %get3A_8 {offsets = [5, 0], sizes = [1, 512], strides = [1, 1]} : vector<13x512xf32> to vector<1x512xf32>
    %broadcast_in_dim3A_137 = arith.constant 5 : i32
    %broadcast_in_dim3A_138 = vector.broadcast %broadcast_in_dim3A_137 : i32 to vector<1x512xi32>
    %gt3A_139 = arith.cmpf ogt, %slice3A_136, %select_n3A_134 : vector<1x512xf32>
    %gt3A_140 = arith.cmpf ogt, %slice3A_136, %select_n3A_131 : vector<1x512xf32>
    %select_n3A_141 = arith.select %gt3A_140, %slice3A_136, %select_n3A_131 : vector<1x512xi1>, vector<1x512xf32>
    %select_n3A_142 = arith.select %gt3A_139, %select_n3A_134, %select_n3A_141 : vector<1x512xi1>, vector<1x512xf32>
    %select_n3A_143 = arith.select %gt3A_140, %broadcast_in_dim3A_138, %select_n3A_133 : vector<1x512xi1>, vector<1x512xi32>
    %select_n3A_144 = arith.select %gt3A_139, %select_n3A_135, %select_n3A_143 : vector<1x512xi1>, vector<1x512xi32>
    %select_n3A_145 = arith.select %gt3A_139, %slice3A_136, %select_n3A_134 : vector<1x512xi1>, vector<1x512xf32>
    %select_n3A_146 = arith.select %gt3A_139, %broadcast_in_dim3A_138, %select_n3A_135 : vector<1x512xi1>, vector<1x512xi32>
    %slice3A_147 = vector.extract_strided_slice %get3A_8 {offsets = [6, 0], sizes = [1, 512], strides = [1, 1]} : vector<13x512xf32> to vector<1x512xf32>
    %broadcast_in_dim3A_148 = arith.constant 6 : i32
    %broadcast_in_dim3A_149 = vector.broadcast %broadcast_in_dim3A_148 : i32 to vector<1x512xi32>
    %gt3A_150 = arith.cmpf ogt, %slice3A_147, %select_n3A_145 : vector<1x512xf32>
    %gt3A_151 = arith.cmpf ogt, %slice3A_147, %select_n3A_142 : vector<1x512xf32>
    %select_n3A_152 = arith.select %gt3A_151, %slice3A_147, %select_n3A_142 : vector<1x512xi1>, vector<1x512xf32>
    %select_n3A_153 = arith.select %gt3A_150, %select_n3A_145, %select_n3A_152 : vector<1x512xi1>, vector<1x512xf32>
    %select_n3A_154 = arith.select %gt3A_151, %broadcast_in_dim3A_149, %select_n3A_144 : vector<1x512xi1>, vector<1x512xi32>
    %select_n3A_155 = arith.select %gt3A_150, %select_n3A_146, %select_n3A_154 : vector<1x512xi1>, vector<1x512xi32>
    %select_n3A_156 = arith.select %gt3A_150, %slice3A_147, %select_n3A_145 : vector<1x512xi1>, vector<1x512xf32>
    %select_n3A_157 = arith.select %gt3A_150, %broadcast_in_dim3A_149, %select_n3A_146 : vector<1x512xi1>, vector<1x512xi32>
    %slice3A_158 = vector.extract_strided_slice %get3A_8 {offsets = [7, 0], sizes = [1, 512], strides = [1, 1]} : vector<13x512xf32> to vector<1x512xf32>
    %broadcast_in_dim3A_159 = arith.constant 7 : i32
    %broadcast_in_dim3A_160 = vector.broadcast %broadcast_in_dim3A_159 : i32 to vector<1x512xi32>
    %gt3A_161 = arith.cmpf ogt, %slice3A_158, %select_n3A_156 : vector<1x512xf32>
    %gt3A_162 = arith.cmpf ogt, %slice3A_158, %select_n3A_153 : vector<1x512xf32>
    %select_n3A_163 = arith.select %gt3A_162, %slice3A_158, %select_n3A_153 : vector<1x512xi1>, vector<1x512xf32>
    %select_n3A_164 = arith.select %gt3A_161, %select_n3A_156, %select_n3A_163 : vector<1x512xi1>, vector<1x512xf32>
    %select_n3A_165 = arith.select %gt3A_162, %broadcast_in_dim3A_160, %select_n3A_155 : vector<1x512xi1>, vector<1x512xi32>
    %select_n3A_166 = arith.select %gt3A_161, %select_n3A_157, %select_n3A_165 : vector<1x512xi1>, vector<1x512xi32>
    %select_n3A_167 = arith.select %gt3A_161, %slice3A_158, %select_n3A_156 : vector<1x512xi1>, vector<1x512xf32>
    %select_n3A_168 = arith.select %gt3A_161, %broadcast_in_dim3A_160, %select_n3A_157 : vector<1x512xi1>, vector<1x512xi32>
    %slice3A_169 = vector.extract_strided_slice %get3A_8 {offsets = [8, 0], sizes = [1, 512], strides = [1, 1]} : vector<13x512xf32> to vector<1x512xf32>
    %broadcast_in_dim3A_170 = arith.constant 8 : i32
    %broadcast_in_dim3A_171 = vector.broadcast %broadcast_in_dim3A_170 : i32 to vector<1x512xi32>
    %gt3A_172 = arith.cmpf ogt, %slice3A_169, %select_n3A_167 : vector<1x512xf32>
    %gt3A_173 = arith.cmpf ogt, %slice3A_169, %select_n3A_164 : vector<1x512xf32>
    %select_n3A_174 = arith.select %gt3A_173, %slice3A_169, %select_n3A_164 : vector<1x512xi1>, vector<1x512xf32>
    %select_n3A_175 = arith.select %gt3A_172, %select_n3A_167, %select_n3A_174 : vector<1x512xi1>, vector<1x512xf32>
    %select_n3A_176 = arith.select %gt3A_173, %broadcast_in_dim3A_171, %select_n3A_166 : vector<1x512xi1>, vector<1x512xi32>
    %select_n3A_177 = arith.select %gt3A_172, %select_n3A_168, %select_n3A_176 : vector<1x512xi1>, vector<1x512xi32>
    %select_n3A_178 = arith.select %gt3A_172, %slice3A_169, %select_n3A_167 : vector<1x512xi1>, vector<1x512xf32>
    %select_n3A_179 = arith.select %gt3A_172, %broadcast_in_dim3A_171, %select_n3A_168 : vector<1x512xi1>, vector<1x512xi32>
    %slice3A_180 = vector.extract_strided_slice %get3A_8 {offsets = [9, 0], sizes = [1, 512], strides = [1, 1]} : vector<13x512xf32> to vector<1x512xf32>
    %broadcast_in_dim3A_181 = arith.constant 9 : i32
    %broadcast_in_dim3A_182 = vector.broadcast %broadcast_in_dim3A_181 : i32 to vector<1x512xi32>
    %gt3A_183 = arith.cmpf ogt, %slice3A_180, %select_n3A_178 : vector<1x512xf32>
    %gt3A_184 = arith.cmpf ogt, %slice3A_180, %select_n3A_175 : vector<1x512xf32>
    %select_n3A_185 = arith.select %gt3A_184, %slice3A_180, %select_n3A_175 : vector<1x512xi1>, vector<1x512xf32>
    %select_n3A_186 = arith.select %gt3A_183, %select_n3A_178, %select_n3A_185 : vector<1x512xi1>, vector<1x512xf32>
    %select_n3A_187 = arith.select %gt3A_184, %broadcast_in_dim3A_182, %select_n3A_177 : vector<1x512xi1>, vector<1x512xi32>
    %select_n3A_188 = arith.select %gt3A_183, %select_n3A_179, %select_n3A_187 : vector<1x512xi1>, vector<1x512xi32>
    %select_n3A_189 = arith.select %gt3A_183, %slice3A_180, %select_n3A_178 : vector<1x512xi1>, vector<1x512xf32>
    %select_n3A_190 = arith.select %gt3A_183, %broadcast_in_dim3A_182, %select_n3A_179 : vector<1x512xi1>, vector<1x512xi32>
    %slice3A_191 = vector.extract_strided_slice %get3A_8 {offsets = [10, 0], sizes = [1, 512], strides = [1, 1]} : vector<13x512xf32> to vector<1x512xf32>
    %broadcast_in_dim3A_192 = arith.constant 10 : i32
    %broadcast_in_dim3A_193 = vector.broadcast %broadcast_in_dim3A_192 : i32 to vector<1x512xi32>
    %gt3A_194 = arith.cmpf ogt, %slice3A_191, %select_n3A_189 : vector<1x512xf32>
    %gt3A_195 = arith.cmpf ogt, %slice3A_191, %select_n3A_186 : vector<1x512xf32>
    %select_n3A_196 = arith.select %gt3A_195, %slice3A_191, %select_n3A_186 : vector<1x512xi1>, vector<1x512xf32>
    %select_n3A_197 = arith.select %gt3A_194, %select_n3A_189, %select_n3A_196 : vector<1x512xi1>, vector<1x512xf32>
    %select_n3A_198 = arith.select %gt3A_195, %broadcast_in_dim3A_193, %select_n3A_188 : vector<1x512xi1>, vector<1x512xi32>
    %select_n3A_199 = arith.select %gt3A_194, %select_n3A_190, %select_n3A_198 : vector<1x512xi1>, vector<1x512xi32>
    %select_n3A_200 = arith.select %gt3A_194, %slice3A_191, %select_n3A_189 : vector<1x512xi1>, vector<1x512xf32>
    %select_n3A_201 = arith.select %gt3A_194, %broadcast_in_dim3A_193, %select_n3A_190 : vector<1x512xi1>, vector<1x512xi32>
    %slice3A_202 = vector.extract_strided_slice %get3A_8 {offsets = [11, 0], sizes = [1, 512], strides = [1, 1]} : vector<13x512xf32> to vector<1x512xf32>
    %broadcast_in_dim3A_203 = arith.constant 11 : i32
    %broadcast_in_dim3A_204 = vector.broadcast %broadcast_in_dim3A_203 : i32 to vector<1x512xi32>
    %gt3A_205 = arith.cmpf ogt, %slice3A_202, %select_n3A_200 : vector<1x512xf32>
    %gt3A_206 = arith.cmpf ogt, %slice3A_202, %select_n3A_197 : vector<1x512xf32>
    %select_n3A_207 = arith.select %gt3A_206, %slice3A_202, %select_n3A_197 : vector<1x512xi1>, vector<1x512xf32>
    %select_n3A_208 = arith.select %gt3A_205, %select_n3A_200, %select_n3A_207 : vector<1x512xi1>, vector<1x512xf32>
    %select_n3A_209 = arith.select %gt3A_206, %broadcast_in_dim3A_204, %select_n3A_199 : vector<1x512xi1>, vector<1x512xi32>
    %select_n3A_210 = arith.select %gt3A_205, %select_n3A_201, %select_n3A_209 : vector<1x512xi1>, vector<1x512xi32>
    %select_n3A_211 = arith.select %gt3A_205, %slice3A_202, %select_n3A_200 : vector<1x512xi1>, vector<1x512xf32>
    %select_n3A_212 = arith.select %gt3A_205, %broadcast_in_dim3A_204, %select_n3A_201 : vector<1x512xi1>, vector<1x512xi32>
    %slice3A_213 = vector.extract_strided_slice %get3A_8 {offsets = [12, 0], sizes = [1, 512], strides = [1, 1]} : vector<13x512xf32> to vector<1x512xf32>
    %broadcast_in_dim3A_214 = arith.constant 12 : i32
    %broadcast_in_dim3A_215 = vector.broadcast %broadcast_in_dim3A_214 : i32 to vector<1x512xi32>
    %gt3A_216 = arith.cmpf ogt, %slice3A_213, %select_n3A_211 : vector<1x512xf32>
    %gt3A_217 = arith.cmpf ogt, %slice3A_213, %select_n3A_208 : vector<1x512xf32>
    %select_n3A_218 = arith.select %gt3A_217, %slice3A_213, %select_n3A_208 : vector<1x512xi1>, vector<1x512xf32>
    %select_n3A_219 = arith.select %gt3A_216, %select_n3A_211, %select_n3A_218 : vector<1x512xi1>, vector<1x512xf32>
    %select_n3A_220 = arith.select %gt3A_217, %broadcast_in_dim3A_215, %select_n3A_210 : vector<1x512xi1>, vector<1x512xi32>
    %select_n3A_221 = arith.select %gt3A_216, %select_n3A_212, %select_n3A_220 : vector<1x512xi1>, vector<1x512xi32>
    %select_n3A_222 = arith.select %gt3A_216, %slice3A_213, %select_n3A_211 : vector<1x512xi1>, vector<1x512xf32>
    %select_n3A_223 = arith.select %gt3A_216, %broadcast_in_dim3A_215, %select_n3A_212 : vector<1x512xi1>, vector<1x512xi32>
    %ge3A = arith.constant 0.949999988 : f32
    %ge3A_224 = vector.broadcast %ge3A : f32 to vector<1x512xf32>
    %ge3A_225 = arith.cmpf oge, %broadcast_in_dim3A_33, %ge3A_224 : vector<1x512xf32>
    %add3A_226 = arith.addf %select_n3A_222, %select_n3A_219 : vector<1x512xf32>
    %ge3A_227 = arith.constant 0.899999976 : f32
    %ge3A_228 = vector.broadcast %ge3A_227 : f32 to vector<1x512xf32>
    %ge3A_229 = arith.cmpf oge, %add3A_226, %ge3A_228 : vector<1x512xf32>
    %not3A = arith.constant dense<true> : vector<1x512xi1>
    %not3A_230 = arith.xori %ge3A_225, %not3A : vector<1x512xi1>
    %and3A = arith.andi %ge3A_229, %not3A_230 : vector<1x512xi1>
    %mul3A_231 = arith.constant 16 : i32
    %mul3A_232 = vector.broadcast %mul3A_231 : i32 to vector<1x512xi32>
    %mul3A_233 = arith.muli %select_n3A_223, %mul3A_232 : vector<1x512xi32>
    %add3A_234 = arith.addi %mul3A_233, %select_n3A_221 : vector<1x512xi32>
    %swap3A_235 = arith.index_cast %arg1 : i32 to index
    %swap3A_236 = arith.constant 0 : index
    %swap3A_237 = vector.load %arg9[%swap3A_235, %swap3A_236] : memref<8x512xi32, #tpu.memory_space<vmem>>, vector<1x512xi32>
    tpu.vector_store %arg9[%swap3A_235, %swap3A_236], %add3A_234 {strides = array<i32>} : memref<8x512xi32, #tpu.memory_space<vmem>>, vector<1x512xi32>,
    %convert_element_type3A_238 = arith.extui %ge3A_225 : vector<1x512xi1> to vector<1x512xi32>
    %mul3A_239 = arith.constant 2 : i32
    %mul3A_240 = vector.broadcast %mul3A_239 : i32 to vector<1x512xi32>
    %mul3A_241 = arith.muli %convert_element_type3A_238, %mul3A_240 : vector<1x512xi32>
    %convert_element_type3A_242 = arith.extui %and3A : vector<1x512xi1> to vector<1x512xi32>
    %add3A_243 = arith.addi %mul3A_241, %convert_element_type3A_242 : vector<1x512xi32>
    %swap3A_244 = arith.index_cast %arg1 : i32 to index
    %swap3A_245 = arith.constant 0 : index
    %swap3A_246 = vector.load %arg10[%swap3A_244, %swap3A_245] : memref<8x512xi32, #tpu.memory_space<vmem>>, vector<1x512xi32>
    tpu.vector_store %arg10[%swap3A_244, %swap3A_245], %add3A_243 {strides = array<i32>} : memref<8x512xi32, #tpu.memory_space<vmem>>, vector<1x512xi32>,
    %slice3A_247 = vector.extract_strided_slice %get3A_13 {offsets = [0, 0], sizes = [512, 1], strides = [1, 1]} : vector<512x3xf32> to vector<512x1xf32>
    %slice3A_248 = vector.extract_strided_slice %get3A_13 {offsets = [0, 1], sizes = [512, 1], strides = [1, 1]} : vector<512x3xf32> to vector<512x1xf32>
    %slice3A_249 = vector.extract_strided_slice %get3A_13 {offsets = [0, 2], sizes = [512, 1], strides = [1, 1]} : vector<512x3xf32> to vector<512x1xf32>
    %slice3A_250 = vector.extract_strided_slice %get3A_18 {offsets = [0, 0], sizes = [1, 2048], strides = [1, 1]} : vector<3x2048xf32> to vector<1x2048xf32>
    %sub3A_251 = vector.broadcast %slice3A_247 : vector<512x1xf32> to vector<512x2048xf32>
    %sub3A_252 = vector.broadcast %slice3A_250 : vector<1x2048xf32> to vector<512x2048xf32>
    %sub3A_253 = arith.subf %sub3A_251, %sub3A_252 : vector<512x2048xf32>
    %slice3A_254 = vector.extract_strided_slice %get3A_18 {offsets = [1, 0], sizes = [1, 2048], strides = [1, 1]} : vector<3x2048xf32> to vector<1x2048xf32>
    %sub3A_255 = vector.broadcast %slice3A_248 : vector<512x1xf32> to vector<512x2048xf32>
    %sub3A_256 = vector.broadcast %slice3A_254 : vector<1x2048xf32> to vector<512x2048xf32>
    %sub3A_257 = arith.subf %sub3A_255, %sub3A_256 : vector<512x2048xf32>
    %slice3A_258 = vector.extract_strided_slice %get3A_18 {offsets = [2, 0], sizes = [1, 2048], strides = [1, 1]} : vector<3x2048xf32> to vector<1x2048xf32>
    %sub3A_259 = vector.broadcast %slice3A_249 : vector<512x1xf32> to vector<512x2048xf32>
    %sub3A_260 = vector.broadcast %slice3A_258 : vector<1x2048xf32> to vector<512x2048xf32>
    %sub3A_261 = arith.subf %sub3A_259, %sub3A_260 : vector<512x2048xf32>
    %mul3A_262 = arith.mulf %sub3A_253, %sub3A_253 : vector<512x2048xf32>
    %mul3A_263 = arith.mulf %sub3A_257, %sub3A_257 : vector<512x2048xf32>
    %add3A_264 = arith.addf %mul3A_262, %mul3A_263 : vector<512x2048xf32>
    %mul3A_265 = arith.mulf %sub3A_261, %sub3A_261 : vector<512x2048xf32>
    %add3A_266 = arith.addf %add3A_264, %mul3A_265 : vector<512x2048xf32>
    %iota3A_267 = tpu.iota {dimensions = array<i32: 1>} : vector<1x2048xi32>
    %convert_element_type3A_268 = arith.sitofp %iota3A_267 : vector<1x2048xi32> to vector<1x2048xf32>
    %eq3A_269 = arith.constant 0.000000e+00 : f32
    %eq3A_270 = vector.broadcast %eq3A_269 : f32 to vector<512x2048xf32>
    %eq3A_271 = arith.cmpf oeq, %add3A_266, %eq3A_270 : vector<512x2048xf32>
    %jit3A_272 = arith.constant 2.048000e+03 : f32
    %broadcast_in_dim3A_273 = vector.shape_cast %convert_element_type3A_268 : vector<1x2048xf32> to vector<1x2048xf32>
    %broadcast_in_dim3A_274 = vector.broadcast %broadcast_in_dim3A_273 : vector<1x2048xf32> to vector<512x2048xf32>
    %broadcast_in_dim3A_275 = vector.broadcast %jit3A_272 : f32 to vector<512x2048xf32>
    %select_n3A_276 = arith.select %eq3A_271, %broadcast_in_dim3A_274, %broadcast_in_dim3A_275 : vector<512x2048xi1>, vector<512x2048xf32>
    %reduce_min3A = arith.constant dense<0x7F800000> : vector<512xf32>
    %reduce_min3A_277 = vector.multi_reduction <minimumf>, %select_n3A_276, %reduce_min3A [1] : vector<512x2048xf32> to vector<512xf32>
    %broadcast_in_dim3A_278 = vector.shape_cast %reduce_min3A_277 : vector<512xf32> to vector<512x1xf32>
    %eq3A_279 = vector.broadcast %convert_element_type3A_268 : vector<1x2048xf32> to vector<512x2048xf32>
    %eq3A_280 = vector.broadcast %broadcast_in_dim3A_278 : vector<512x1xf32> to vector<512x2048xf32>
    %eq3A_281 = arith.cmpf oeq, %eq3A_279, %eq3A_280 : vector<512x2048xf32>
    %jit3A_282 = arith.constant 0x7F800000 : f32
    %broadcast_in_dim3A_283 = vector.broadcast %jit3A_282 : f32 to vector<512x2048xf32>
    %select_n3A_284 = arith.select %eq3A_281, %broadcast_in_dim3A_283, %add3A_266 : vector<512x2048xi1>, vector<512x2048xf32>
    %reduce_min3A_285 = arith.constant dense<0x7F800000> : vector<512xf32>
    %reduce_min3A_286 = vector.multi_reduction <minimumf>, %select_n3A_284, %reduce_min3A_285 [1] : vector<512x2048xf32> to vector<512xf32>
    %broadcast_in_dim3A_287 = vector.shape_cast %reduce_min3A_286 : vector<512xf32> to vector<512x1xf32>
    %eq3A_288 = vector.broadcast %broadcast_in_dim3A_287 : vector<512x1xf32> to vector<512x2048xf32>
    %eq3A_289 = arith.cmpf oeq, %select_n3A_284, %eq3A_288 : vector<512x2048xf32>
    %jit3A_290 = arith.constant 2.048000e+03 : f32
    %broadcast_in_dim3A_291 = vector.shape_cast %convert_element_type3A_268 : vector<1x2048xf32> to vector<1x2048xf32>
    %broadcast_in_dim3A_292 = vector.broadcast %broadcast_in_dim3A_291 : vector<1x2048xf32> to vector<512x2048xf32>
    %broadcast_in_dim3A_293 = vector.broadcast %jit3A_290 : f32 to vector<512x2048xf32>
    %select_n3A_294 = arith.select %eq3A_289, %broadcast_in_dim3A_292, %broadcast_in_dim3A_293 : vector<512x2048xi1>, vector<512x2048xf32>
    %reduce_min3A_295 = arith.constant dense<0x7F800000> : vector<512xf32>
    %reduce_min3A_296 = vector.multi_reduction <minimumf>, %select_n3A_294, %reduce_min3A_295 [1] : vector<512x2048xf32> to vector<512xf32>
    %broadcast_in_dim3A_297 = vector.shape_cast %reduce_min3A_296 : vector<512xf32> to vector<512x1xf32>
    %convert_element_type3A_298 = arith.fptosi %broadcast_in_dim3A_297 : vector<512x1xf32> to vector<512x1xi32>
    %transpose3A = tpu.transpose %convert_element_type3A_298, [1, 0] : vector<512x1xi32> -> vector<1x512xi32>
    %swap3A_299 = arith.index_cast %arg1 : i32 to index
    %swap3A_300 = arith.constant 0 : index
    %swap3A_301 = vector.load %arg11[%swap3A_299, %swap3A_300] : memref<8x512xi32, #tpu.memory_space<vmem>>, vector<1x512xi32>
    tpu.vector_store %arg11[%swap3A_299, %swap3A_300], %transpose3A {strides = array<i32>} : memref<8x512xi32, #tpu.memory_space<vmem>>, vector<1x512xi32>,
    return
  }
  func.func @transform_0(%arg0: i32, %arg1: i32) -> (i32, i32, i32) {
    %c0_i32 = arith.constant 0 : i32
    %c0_i32_0 = arith.constant 0 : i32
    return %arg1, %c0_i32, %arg0 : i32, i32, i32
  }
  func.func @transform_1(%arg0: i32, %arg1: i32) -> (i32, i32) {
    %c0_i32 = arith.constant 0 : i32
    %c0_i32_0 = arith.constant 0 : i32
    return %c0_i32, %arg0 : i32, i32
  }
  func.func @transform_2(%arg0: i32, %arg1: i32) -> (i32, i32) {
    %c0_i32 = arith.constant 0 : i32
    %c0_i32_0 = arith.constant 0 : i32
    return %c0_i32, %arg0 : i32, i32
  }
  func.func @transform_3(%arg0: i32, %arg1: i32) -> (i32, i32, i32) {
    %c0_i32 = arith.constant 0 : i32
    %c0_i32_0 = arith.constant 0 : i32
    return %arg1, %c0_i32, %arg0 : i32, i32, i32
  }
  func.func @transform_4(%arg0: i32, %arg1: i32) -> (i32, i32, i32) {
    %c0_i32 = arith.constant 0 : i32
    %c0_i32_0 = arith.constant 0 : i32
    return %arg1, %arg0, %c0_i32 : i32, i32, i32
  }
  func.func @transform_5(%arg0: i32, %arg1: i32) -> (i32, i32, i32) {
    %c0_i32 = arith.constant 0 : i32
    %c0_i32_0 = arith.constant 0 : i32
    %c0_i32_1 = arith.constant 0 : i32
    return %arg1, %c0_i32, %c0_i32_0 : i32, i32, i32
  }
  func.func @transform_6(%arg0: i32, %arg1: i32) -> (i32, i32) {
    %c0_i32 = arith.constant 0 : i32
    %c0_i32_0 = arith.constant 0 : i32
    return %c0_i32, %arg0 : i32, i32
  }
  func.func @transform_7(%arg0: i32, %arg1: i32) -> (i32, i32) {
    %c0_i32 = arith.constant 0 : i32
    %c0_i32_0 = arith.constant 0 : i32
    return %c0_i32, %arg0 : i32, i32
  }
  func.func @transform_8(%arg0: i32, %arg1: i32) -> (i32, i32) {
    %c0_i32 = arith.constant 0 : i32
    %c0_i32_0 = arith.constant 0 : i32
    return %c0_i32, %arg0 : i32, i32
  }
  func.func @transform_9(%arg0: i32, %arg1: i32) -> (i32, i32) {
    %c0_i32 = arith.constant 0 : i32
    %c0_i32_0 = arith.constant 0 : i32
    return %c0_i32, %arg0 : i32, i32
  }
}

module attributes {stable_mosaic.version = 14 : i64} {
  func.func @_tc_loss_body(%arg0: memref<8x2048xf32, #tpu.memory_space<vmem>>, %arg1: memref<8x2048xi32, #tpu.memory_space<vmem>>, %arg2: memref<1x1xf32, #tpu.memory_space<vmem>>) attributes {dimension_semantics = [], scalar_prefetch = 0 : i64, scratch_operands = 0 : i64, tpu.core_type = #tpu.core_type<tc>} {
    %get3A = arith.constant 0 : index
    %get3A_0 = arith.constant 0 : index
    %get3A_1 = vector.load %arg0[%get3A, %get3A_0] : memref<8x2048xf32, #tpu.memory_space<vmem>>, vector<8x2048xf32>
    %get3A_2 = arith.constant 0 : index
    %get3A_3 = arith.constant 0 : index
    %get3A_4 = vector.load %arg1[%get3A_2, %get3A_3] : memref<8x2048xi32, #tpu.memory_space<vmem>>, vector<8x2048xi32>
    %shift_right_arithmetic3A = arith.constant 1 : i32
    %shift_right_arithmetic3A_5 = vector.broadcast %shift_right_arithmetic3A : i32 to vector<8x2048xi32>
    %shift_right_arithmetic3A_6 = arith.shrsi %get3A_4, %shift_right_arithmetic3A_5 : vector<8x2048xi32>
    %and3A = arith.constant 1 : i32
    %and3A_7 = vector.broadcast %and3A : i32 to vector<8x2048xi32>
    %and3A_8 = arith.andi %shift_right_arithmetic3A_6, %and3A_7 : vector<8x2048xi32>
    %convert_element_type3A = arith.sitofp %and3A_8 : vector<8x2048xi32> to vector<8x2048xf32>
    %mul3A = arith.mulf %get3A_1, %convert_element_type3A : vector<8x2048xf32>
    %reduce_sum3A = vector.shape_cast %mul3A : vector<8x2048xf32> to vector<1x8x2048xf32>
    %reduce_sum3A_9 = arith.constant dense<0.000000e+00> : vector<1xf32>
    %reduce_sum3A_10 = vector.multi_reduction <add>, %reduce_sum3A, %reduce_sum3A_9 [1, 2] : vector<1x8x2048xf32> to vector<1xf32>
    %reduce_sum3A_11 = vector.shape_cast %reduce_sum3A_10 : vector<1xf32> to vector<1x1x1xf32>
    %reduce_sum3A_12 = vector.extract %reduce_sum3A_11[0, 0, 0] : f32 from vector<1x1x1xf32>
    %reduce_sum3A_13 = vector.shape_cast %convert_element_type3A : vector<8x2048xf32> to vector<1x8x2048xf32>
    %reduce_sum3A_14 = arith.constant dense<0.000000e+00> : vector<1xf32>
    %reduce_sum3A_15 = vector.multi_reduction <add>, %reduce_sum3A_13, %reduce_sum3A_14 [1, 2] : vector<1x8x2048xf32> to vector<1xf32>
    %reduce_sum3A_16 = vector.shape_cast %reduce_sum3A_15 : vector<1xf32> to vector<1x1x1xf32>
    %reduce_sum3A_17 = vector.extract %reduce_sum3A_16[0, 0, 0] : f32 from vector<1x1x1xf32>
    %mul3A_18 = arith.constant 1.300000e+01 : f32
    %mul3A_19 = arith.mulf %mul3A_18, %reduce_sum3A_17 : f32
    %add3A = arith.constant 1.000000e-03 : f32
    %add3A_20 = arith.addf %mul3A_19, %add3A : f32
    %div3A = arith.divf %reduce_sum3A_12, %add3A_20 : f32
    %reshape3A = vector.broadcast %div3A : f32 to vector<1x1xf32>
    %swap3A = arith.constant 0 : index
    %swap3A_21 = arith.constant 0 : index
    %swap3A_22 = vector.load %arg2[%swap3A, %swap3A_21] : memref<1x1xf32, #tpu.memory_space<vmem>>, vector<1x1xf32>
    tpu.vector_store %arg2[%swap3A, %swap3A_21], %reshape3A {strides = array<i32>} : memref<1x1xf32, #tpu.memory_space<vmem>>, vector<1x1xf32>,
    return
  }
}

</mosaic_0001>

<sc_bundles>
// kernel: kernel.5.cloned.1.call-start
scs
__scs_entry_jumppad:
0x0: {  	(pc) =	sbr.rel $0x88, $3  }
0x1: {  	(tag) =	ssettag $0x0;
	lr =	simm.s32 $0x1  }
0x2: {  	[smem:$0x3F9C] =	sst lr;
	_ =	strace $0xD0000000  }
0x3: {  	_ = 	snop  }
0x4: {  	_ = 	snop  }
0x5: {  	_ = 	snop  }
0x6: {  	_ = 	snop  }
0x7: {  	_ = 	snop  }
__scs_overlays_trampoline_lowered:
0x8: {  	[smem:$0x3FAB] =	sst s0  }
0x9: {  	[smem:$0x3FAC] =	sst s1  }
0xa: {  	[smem:$0x3FAD] =	sst s2  }
0xb: {  	[smem:$0x3FAE] =	sst s3  }
0xc: {  	[smem:$0x3FAF] =	sst s4  }
0xd: {  	[smem:$0x3FB0] =	sst s5  }
0xe: {  	[smem:$0x3FB1] =	sst s6  }
0xf: {  	[smem:$0x3FB2] =	sst s7  }
0x10: {  	[smem:$0x3FB3] =	sst s8  }
0x11: {  	[smem:$0x3FB4] =	sst s9;
	s0 =	simm.s32 @!p0 $0x0  }
0x12: {  	s1 =	sld [smem:$0x3F9A];
	s0 =	simm.s32 @p0 $0x1  }
0x13: {  	[smem:$0x3FB5] =	sst s0;
	s0 =	simm.s32 @!p1 $0x0  }
0x14: {  	s2 =	sld [smem:$0x3F99];
	s0 =	simm.s32 @p1 $0x1  }
0x15: {  	[smem:$0x3FB6] =	sst s0;
	s0 =	simm.s32 @!p2 $0x0  }
0x16: {  	s3 =	sld [smem:$0x3FDB];
	s0 =	simm.s32 @p2 $0x1  }
0x17: {  	s4 =	simm.s32 $0x1BF5;
	[smem:$0x3FB8] =	sst s0  }
0x18: {  	s0 =	sld [smem:$0x3F9B];
	_ =	swait.ge [sflag:s4], $0x0  }
0x19: {  	s7 =	sld [smem:$0x3F9C]  }
0x1a: {  	s8 =	sadd.s32 $0xFFFFE003, lr  }
0x1b: {  	s9 =	sadd.s32 $0xFFFFFEF7, lr;
	s5 =	simm.s32 $0xFFFFFFFF;
	p2 =	slt.u32 s8, $0xFFFFF086  }
0x1c: {  	p1 =	slt.u32 s9, $0xF7A;
	s5 =	simm.s32 @!p2 $0x0  }
0x1d: {  	s5 =	simm.s32 @p1 $0x1;
	p0 =	seq.s32 s7, s2  }
0x1e: {  	s7 =	smul.u32 @!p0 $0xF7A, s2;
	p2 =	seq.s32 @!p0 s5, $0x0  }
0x1f: {  	s9 =	smul.u32 $0xF7A, s1;
	s8 =	simm.s32 @!p0 $0x1BF5;
	p2 =	por !p2, p0  }
0x20: {  	[sflag:s8] =	ssyncset.s32 @!p0 $0xFFFFF086;
	s6 =	sadd.s32 @!p0 s3, s7;
	s7 =	simm.s32 @!p0 $0x108  }
0x21: {  	s3 =	sadd.s32 s3, s9;
	s6 =	sadd.s32 @!p0 $0x88, s6;
	s7 =	simm.s32 @p2 $0x1082  }
0x22: {  	[simem:s7], [sflag:s8] =	dma.local @!p0 [hbm:s6], $0xF7A  }
0x23: {  	s9 =	sor.u32 $0xD0000000, s2;
	s6 =	simm.s32 $0x108;
	_ =	swait.ge @!p0 [sflag:s8], $0x0  }
0x24: {  	s3 =	sadd.s32 $0x88, s3;
	s6 =	simm.s32 @!p1 $0x1082;
	[sflag:s4] =	ssyncset.s32 $0xFFFFF086  }
0x25: {  	[simem:s6], [sflag:s4] =	dma.local [hbm:s3], $0xF7A  }
0x26: {  	[smem:$0x3F9C] =	sst s1;
	(tag) =	ssettag s2;
	_ =	strace s9  }
0x27: {  	s1 =	sld [smem:$0x3FAC]  }
0x28: {  	s2 =	sld [smem:$0x3FAD]  }
0x29: {  	s4 =	sld [smem:$0x3FAF]  }
0x2a: {  	p0 =	seq.s32 s5, $0x0;
	s5 =	sld [smem:$0x3FB0]  }
0x2b: {  	s6 =	sld [smem:$0x3FB1]  }
0x2c: {  	s7 =	sld [smem:$0x3FB2]  }
0x2d: {  	s3 =	simm.s32 $0x108;
	s8 =	sld [smem:$0x3FB3]  }
0x2e: {  	s3 =	simm.s32 @!p0 $0x1082;
	s9 =	sld [smem:$0x3FB4]  }
0x2f: {  	lr =	sadd.s32 s0, s3;
	s0 =	sld [smem:$0x3FAB]  }
0x30: {  	s3 =	sld [smem:$0x3FAE]  }
0x31: {  	[smem:$0x3FB7] =	sst s10  }
0x32: {  	s10 =	sld [smem:$0x3FB5];
	_ =	sdelay $0x3  }
0x33: {  	p0 =	seq.s32 s10, $0x1;
	s10 =	sld [smem:$0x3FB7];
	_ =	sdelay $0x3  }
0x34: {  	[smem:$0x3FB7] =	sst s10  }
0x35: {  	s10 =	sld [smem:$0x3FB6];
	_ =	sdelay $0x3  }
0x36: {  	p1 =	seq.s32 s10, $0x1;
	s10 =	sld [smem:$0x3FB7];
	_ =	sdelay $0x3  }
0x37: {  	[smem:$0x3FB7] =	sst s10  }
0x38: {  	s10 =	sld [smem:$0x3FB8]  }
0x39: {  	_ = 	snop;
	(pc) =	sbr.ind lr, $3  }
0x3a: {  	_ = 	snop  }
0x3b: {  	_ = 	snop  }
0x3c: {  	p2 =	seq.s32 s10, $0x1;
	s10 =	sld [smem:$0x3FB7]  }
0x3d: {  	_ =	shalt  }
0x3e: {  	_ =	shalt  }
0x3f: {  	_ =	shalt  }
0x40: {  	_ =	shalt  }
0x41: {  	_ =	shalt  }
0x42: {  	_ =	shalt  }
0x43: {  	_ =	shalt  }
0x44: {  	_ =	shalt  }
0x45: {  	_ =	shalt  }
0x46: {  	_ =	shalt  }
0x47: {  	_ =	shalt  }
0x48: {  	_ =	shalt  }
0x49: {  	_ =	shalt  }
0x4a: {  	_ =	shalt  }
0x4b: {  	_ =	shalt  }
0x4c: {  	_ =	shalt  }
0x4d: {  	_ =	shalt  }
0x4e: {  	_ =	shalt  }
0x4f: {  	_ =	shalt  }
0x50: {  	_ =	shalt  }
0x51: {  	_ =	shalt  }
0x52: {  	_ =	shalt  }
0x53: {  	_ =	shalt  }
0x54: {  	_ =	shalt  }
0x55: {  	_ =	shalt  }
0x56: {  	_ =	shalt  }
0x57: {  	_ =	shalt  }
0x58: {  	_ =	shalt  }
0x59: {  	_ =	shalt  }
0x5a: {  	_ =	shalt  }
0x5b: {  	_ =	shalt  }
0x5c: {  	_ =	shalt  }
0x5d: {  	_ =	shalt  }
0x5e: {  	_ =	shalt  }
0x5f: {  	_ =	shalt  }
0x60: {  	_ =	shalt  }
0x61: {  	_ =	shalt  }
0x62: {  	_ =	shalt  }
0x63: {  	_ =	shalt  }
0x64: {  	_ =	shalt  }
0x65: {  	_ =	shalt  }
0x66: {  	_ =	shalt  }
0x67: {  	_ =	shalt  }
0x68: {  	_ =	shalt  }
0x69: {  	_ =	shalt  }
0x6a: {  	_ =	shalt  }
0x6b: {  	_ =	shalt  }
0x6c: {  	_ =	shalt  }
0x6d: {  	_ =	shalt  }
0x6e: {  	_ =	shalt  }
0x6f: {  	_ =	shalt  }
0x70: {  	_ =	shalt  }
0x71: {  	_ =	shalt  }
0x72: {  	_ =	shalt  }
0x73: {  	_ =	shalt  }
0x74: {  	_ =	shalt  }
0x75: {  	_ =	shalt  }
0x76: {  	_ =	shalt  }
0x77: {  	_ =	shalt  }
0x78: {  	_ =	shalt  }
0x79: {  	_ =	shalt  }
0x7a: {  	_ =	shalt  }
0x7b: {  	_ =	shalt  }
0x7c: {  	_ =	shalt  }
0x7d: {  	_ =	shalt  }
0x7e: {  	_ =	shalt  }
0x7f: {  	_ =	shalt  }
0x80: {  	_ =	shalt  }
0x81: {  	_ =	shalt  }
0x82: {  	_ =	shalt  }
0x83: {  	_ =	shalt  }
0x84: {  	_ =	shalt  }
0x85: {  	_ =	shalt  }
0x86: {  	_ =	shalt  }
0x87: {  	_ =	shalt  }
.Lfunc_end0:
.L_simem_size_0:
called_computation_lowered:
.L_overlay_start_0:
0x88: {  	s2 =	sld [smem:$0x3FD9]  }
0x89: {  	s3 =	sld [smem:$0x3FFE];
	_ =	sdelay $0x1  }
0x8a: {  	s1 =	srdreg.scid  }
0x8b: {  	s0 =	sand.u32 $0x1, s1  }
0x8c: {  	s16 =	sshll.u32 s0, $0xA;
	s2 =	sadd.s32 s3, s2  }
0x8d: {  	s2 =	sadd.s32 s2, s16  }
0x8e: {  	[smem:$0x3FC3] =	sst s2  }
0x8f: {  	_ = 	snop  }
0x90: {  	(tm) =	ssettm $0x1  }
0x91: {  	s17 =	sld [smem:$0x3FFB];
	_ =	sdelay $0x3  }
0x92: {  	_ =	strace s17  }
0x93: {  	s2 =	sld [smem:$0x3FFC];
	_ =	sdelay $0x3  }
0x94: {  	_ =	strace s2  }
0x95: {  	s2 =	sld [smem:$0x3FFD];
	_ =	sdelay $0x3  }
0x96: {  	_ =	strace s2  }
0x97: {  	_ =	strace $0x8FFFFFFF  }
0x98: {  	s18 =	sld [smem:$0x3FDB];
	_ =	sdelay $0x1  }
0x99: {  	s19 =	simm.s32 $_scs_section_size  }
0x9a: {  	s4 =	simm.s32 $_size__tile_overlayer_lowered;
	s5 =	simm.s32 $_tile_overlayer_lowered  }
0x9b: {  	s22 =	simm.s32 $0x1BFF;
	s21 =	sshll.u32 s5, $0x1;
	s2 =	sadd.s32 s19, s18  }
0x9c: {  	s6 =	simm.s32 $0x0;
	s20 =	sshll.u32 s4, $0x1;
	s4 =	sadd.s32 s21, s2  }
0x9d: {  	[timem:s6], [sflag:s22] =	dma.local [hbm:s4], s20  }
0x9e: {  	_ =	swait.ge [sflag:s22], s20  }
0x9f: {  	s3 =	ssub.s32 $0x0, s20;
	[sflag:s22] =	ssyncset.done $0x0  }
0xa0: {  	[sflag:s22] =	ssyncadd.s32 s3;
	_ =	sdelay $0x1  }
0xa1: {  	s23 =	simm.s32 $0x1B8B  }
0xa2: {  	_ =	swait.ge [sflag:s23], $0x1  }
0xa3: {  	[sflag:s23] =	ssyncset.done $0x0  }
0xa4: {  	s25 =	simm.s32 $0x1B8E;
	s24 =	sld [smem:$0x3FFE];
	[sflag:s23] =	ssyncadd.s32 $0xFFFFFFFF  }
0xa5: {  	s26 =	simm.s32 $execute0_lowered;
	[smem:$0x3FD2] =	sst s25  }
0xa6: {  	s4 =	sshll.u32 s26, $0x1;
	_ =	strace $0x80000046;
	[dreg:$0x1] =	wrdreg $0xFFFFFFFF  }
0xa7: {  	s28 =	simm.s32 $_size_execute0_lowered;
	s2 =	sadd.s32 s2, s4;
	[dreg:$0x0] =	wrdreg $0x0  }
0xa8: {  	s4 =	sshll.u32 s28, $0x1;
	[dreg:$0x2] =	wrdreg s2  }
0xa9: {  	[dreg:$0x3] =	wrdreg s4  }
0xaa: {  	[dreg:$0x4] =	wrdreg $0xC0  }
0xab: {  	_ =	task [dreg:s6], $0x5FFFF  }
0xac: {  	[dreg:$0x1] =	wrdreg $0xFFFFFFFF  }
0xad: {  	[dreg:$0x0] =	wrdreg $0x60  }
0xae: {  	[dreg:$0x2] =	wrdreg s24  }
0xaf: {  	[dreg:$0x3] =	wrdreg $0x9  }
0xb0: {  	_ =	task.clear_ibuf [dreg:s6], $0x4FFFF;
	_ =	strace $0x90000046  }
0xb1: {  	s29 =	simm.s32 $0x9;
	_ =	strace $0x80000048  }
0xb2: {  	_ =	swait.ge [sflag:s29], $0x1  }
0xb3: {  	[sflag:s29] =	ssyncadd.s32 $0xFFFFFFFF  }
0xb4: {  	_ =	strace $0x90000048  }
0xb5: {  	_ =	sfence  }
0xb6: {  	s30 =	sld [smem:$0x0];
	_ =	sdelay $0x2  }
0xb7: {  	s31 =	sshll.u32 s1, $0xD;
	s1 =	sshrl.u32 s1, $0x2  }
0xb8: {  	s3 =	sand.u32 $0x4000, s31;
	s1 =	sadd.s32 s1, s30  }
0xb9: {  	s0 =	sor.u32 s3, s0;
	s1 =	sshll.u32 s1, $0x11  }
0xba: {  	s0 =	sor.u32 s1, s0  }
0xbb: {  	s0 =	sadd.s32 $0x8F2B, s0  }
0xbc: {  	[sflag:s0] =	ssyncadd.remote.s32 $0x1  }
0xbd: {  	_ =	sfence.sel $0xFFFF  }
0xbe: {  	[dreg:$0x0] =	wrdreg $0xFFFFFFFF;
	(pc) =	sbr.abs _section_cstart, $3  }
0xbf: {  	[dreg:$0x1] =	wrdreg $0xFFFFFFFF  }
0xc0: {  	_ =	task.clear_ibuf [dreg:s6], $0x2FFFF;
	_ =	strace $0x9FFFFFFF  }
0xc1: {  	(tm) =	ssettm $0x7FFFFFFF  }
tec
execute0_lowered:
.L_overlay_start_1:
0x0: {  	(tag) =	ssettag $0x1  }
0x1: {  	s3 =	rddreg [dreg:$0x0];
	s1 =	stileid.u32  }
0x2: {  	s0 =	rddreg [dreg:$0x1];
	s4 =	srdreg.scid;
	s2 =	simm.s32 $0x0  }
0x3: {  	s10 =	simm.s32 $0x400;
	s11 =	simm.s32 $0x1;
	s12 =	simm.s32 $0x800  }
0x4: {  	s13 =	simm.s32 $0xA00;
	s14 =	simm.s32 $0xC00;
	s5 =	sshll.u32 s1, $0x1  }
0x5: {  	s15 =	simm.s32 $0xE00;
	s4 =	sand.u32 $0x1, s4;
	s5 =	sand.u32 $0x2, s5  }
0x6: {  	[smem:$0x7FF] =	sst s2;
	s6 =	sshll.u32 s1, $0x6;
	s5 =	sor.u32 s4, s5  }
0x7: {  	s6 =	sand.u32 $0x380, s6;
	s4 =	ssub.s32 $0x2, s4;
	s5 =	sshll.u32 s5, $0xC  }
0x8: {  	s7 =	sadd.s32 $0x1800, s3;
	s8 =	sshrl.u32 s4, $0x1;
	s5 =	sor.u32 s6, s5  }
0x9: {  	_ =	strace $0x80000047;
	s8 =	ssub.s32 s4, s8;
	s5 =	sshrl.u32 s5, $0x3  }
0xa: {  	s6 =	sshrl.u32 s6, $0x3;
	s8 =	smax.u32 s8, $0x1;
	s9 =	sadd.s32 s5, s3  }
0xb: {  	s3 =	sadd.s32 s7, s6;
	s4 =	sadd.s32 s7, s5;
	s5 =	sadd.s32 $0x2800, s9  }
0xc: {  	v0 =	vimm.s32 $0x0;
	s6 =	sadd.s32 $0x2000, s9;
	s7 =	sadd.s32 $0x3000, s9;
	s9 =	simm.s32 $0x80  }
.LBB2_1:
0xd: {  	[tilespmem:s2], [sflag:$0x1] =	stream.strided.gather [hbm4b:s3+s9], $0x800, s10, s9, $0x38;
	[tilespmem:$0x1000] =	vst v63  }
0xe: {  	_ =	swait.ge [sflag:s11], $0x800  }
0xf: {  	[sflag:s11] =	ssyncset.done $0x0  }
0x10: {  	[sflag:s11] =	ssyncadd.s32 $0xFFFFF800  }
0x11: {  	[tilespmem:s12], [sflag:$0x1] =	stream.strided.gather [hbm4b:s4+s9], $0x200, s10, s9, $0x38;
	[tilespmem:$0x1000] =	vst v63  }
0x12: {  	_ =	swait.ge [sflag:s11], $0x200  }
0x13: {  	[sflag:s11] =	ssyncset.done $0x0  }
0x14: {  	[sflag:s11] =	ssyncadd.s32 $0xFFFFFE00  }
0x15: {  	[tilespmem:s13], [sflag:$0x1] =	stream.strided.gather [hbm4b:s5+s9], $0x200, s10, s9, $0x38;
	[tilespmem:$0x1000] =	vst v63  }
0x16: {  	_ =	swait.ge [sflag:s11], $0x200  }
0x17: {  	[sflag:s11] =	ssyncset.done $0x0  }
0x18: {  	[sflag:s11] =	ssyncadd.s32 $0xFFFFFE00  }
0x19: {  	[tilespmem:s14], [sflag:$0x1] =	stream.strided.gather [hbm4b:s6+s9], $0x200, s10, s9, $0x38;
	[tilespmem:$0x1000] =	vst v63  }
0x1a: {  	_ =	swait.ge [sflag:s11], $0x200  }
0x1b: {  	[sflag:s11] =	ssyncset.done $0x0  }
0x1c: {  	[sflag:s11] =	ssyncadd.s32 $0xFFFFFE00  }
0x1d: {  	v1 =	vld [tilespmem:$0xA00];
	_ =	sdelay $0x4  }
0x1e: {  	v2 =	vld [tilespmem:$0x800];
	_ =	sdelay $0x1  }
0x1f: {  	v3 =	vld [tilespmem:$0xC00]  }
0x20: {  	v1 =	vld.idx.msk [tilespmem:v1+s2+$0x0], $0xffff;
	_ =	sdelay $0x1  }
0x21: {  	v4 =	vshll.u32 v2, $0x4  }
0x22: {  	v5 =	vld [tilespmem:$0xA10];
	v2 =	vshra.s32 v2, $0x4;
	v4 =	vand.u32 $0xF0, v4  }
0x23: {  	v27 =	vand.u32 $0x1, v3;
	v2 =	vadd.s32 v2, v4  }
0x24: {  	vm1 =	veq.s32 v27, $0x1;
	vm0 =	veq.s32 v2, v1  }
0x25: {  	vm6 =	vgt.u32 v3, $0x1;
	vm0 =	vmand vm0, vm1  }
0x26: {  	vm1 =	vmor vm6, vm0  }
0x27: {  	v3 =	vld [tilespmem:$0x810];
	v2 =	vsel vm0, $0x1, v0;
	v1 =	vsel vm1, $0x2, v0  }
0x28: {  	v1 =	vor.u32 v2, v1  }
0x29: {  	[tilespmem:$0xE00] =	vst v1;
	v1 =	vld [tilespmem:$0xC10]  }
0x2a: {  	v2 =	vld.idx.msk [tilespmem:v5+s2+$0x0], $0xffff;
	_ =	sdelay $0x1  }
0x2b: {  	v28 =	vshll.u32 v3, $0x4  }
0x2c: {  	v29 =	vld [tilespmem:$0xA20];
	v3 =	vshra.s32 v3, $0x4;
	v4 =	vand.u32 $0xF0, v28  }
0x2d: {  	v3 =	vadd.s32 v3, v4;
	v30 =	vand.u32 $0x1, v1  }
0x2e: {  	vm7 =	veq.s32 v3, v2;
	vm8 =	veq.s32 v30, $0x1  }
0x2f: {  	vm9 =	vgt.u32 v1, $0x1;
	vm0 =	vmand vm7, vm8  }
0x30: {  	vm1 =	vmor vm9, vm0  }
0x31: {  	v3 =	vld [tilespmem:$0x820];
	v2 =	vsel vm0, $0x1, v0;
	v1 =	vsel vm1, $0x2, v0  }
0x32: {  	v1 =	vor.u32 v2, v1  }
0x33: {  	[tilespmem:$0xE10] =	vst v1;
	v1 =	vld [tilespmem:$0xC20]  }
0x34: {  	v2 =	vld.idx.msk [tilespmem:v29+s2+$0x0], $0xffff;
	_ =	sdelay $0x1  }
0x35: {  	v31 =	vshll.u32 v3, $0x4  }
0x36: {  	v32 =	vld [tilespmem:$0xA30];
	v3 =	vshra.s32 v3, $0x4;
	v4 =	vand.u32 $0xF0, v31  }
0x37: {  	v3 =	vadd.s32 v3, v4;
	v33 =	vand.u32 $0x1, v1  }
0x38: {  	vm10 =	veq.s32 v3, v2;
	vm11 =	veq.s32 v33, $0x1  }
0x39: {  	vm12 =	vgt.u32 v1, $0x1;
	vm0 =	vmand vm10, vm11  }
0x3a: {  	vm1 =	vmor vm12, vm0  }
0x3b: {  	v3 =	vld [tilespmem:$0x830];
	v2 =	vsel vm0, $0x1, v0;
	v1 =	vsel vm1, $0x2, v0  }
0x3c: {  	v1 =	vor.u32 v2, v1  }
0x3d: {  	[tilespmem:$0xE20] =	vst v1;
	v1 =	vld [tilespmem:$0xC30]  }
0x3e: {  	v2 =	vld.idx.msk [tilespmem:v32+s2+$0x0], $0xffff;
	_ =	sdelay $0x1  }
0x3f: {  	v34 =	vshll.u32 v3, $0x4  }
0x40: {  	v35 =	vld [tilespmem:$0xA40];
	v3 =	vshra.s32 v3, $0x4;
	v4 =	vand.u32 $0xF0, v34  }
0x41: {  	v3 =	vadd.s32 v3, v4;
	v36 =	vand.u32 $0x1, v1  }
0x42: {  	vm13 =	veq.s32 v3, v2;
	vm14 =	veq.s32 v36, $0x1  }
0x43: {  	vm15 =	vgt.u32 v1, $0x1;
	vm0 =	vmand vm13, vm14  }
0x44: {  	vm1 =	vmor vm15, vm0  }
0x45: {  	v3 =	vld [tilespmem:$0x840];
	v2 =	vsel vm0, $0x1, v0;
	v1 =	vsel vm1, $0x2, v0  }
0x46: {  	v1 =	vor.u32 v2, v1  }
0x47: {  	[tilespmem:$0xE30] =	vst v1;
	v1 =	vld [tilespmem:$0xC40]  }
0x48: {  	v2 =	vld.idx.msk [tilespmem:v35+s2+$0x0], $0xffff;
	_ =	sdelay $0x1  }
0x49: {  	v37 =	vshll.u32 v3, $0x4  }
0x4a: {  	v38 =	vld [tilespmem:$0xA50];
	v3 =	vshra.s32 v3, $0x4;
	v4 =	vand.u32 $0xF0, v37  }
0x4b: {  	v3 =	vadd.s32 v3, v4;
	v39 =	vand.u32 $0x1, v1  }
0x4c: {  	vm4 =	veq.s32 v3, v2;
	vm5 =	veq.s32 v39, $0x1  }
0x4d: {  	vm6 =	vgt.u32 v1, $0x1;
	vm0 =	vmand vm4, vm5  }
0x4e: {  	vm1 =	vmor vm6, vm0  }
0x4f: {  	v3 =	vld [tilespmem:$0x850];
	v2 =	vsel vm0, $0x1, v0;
	v1 =	vsel vm1, $0x2, v0  }
0x50: {  	v1 =	vor.u32 v2, v1  }
0x51: {  	[tilespmem:$0xE40] =	vst v1;
	v1 =	vld [tilespmem:$0xC50]  }
0x52: {  	v2 =	vld.idx.msk [tilespmem:v38+s2+$0x0], $0xffff;
	_ =	sdelay $0x1  }
0x53: {  	v40 =	vshll.u32 v3, $0x4  }
0x54: {  	v41 =	vld [tilespmem:$0xA60];
	v3 =	vshra.s32 v3, $0x4;
	v4 =	vand.u32 $0xF0, v40  }
0x55: {  	v3 =	vadd.s32 v3, v4;
	v42 =	vand.u32 $0x1, v1  }
0x56: {  	vm7 =	veq.s32 v3, v2;
	vm8 =	veq.s32 v42, $0x1  }
0x57: {  	vm9 =	vgt.u32 v1, $0x1;
	vm0 =	vmand vm7, vm8  }
0x58: {  	vm1 =	vmor vm9, vm0  }
0x59: {  	v3 =	vld [tilespmem:$0x860];
	v2 =	vsel vm0, $0x1, v0;
	v1 =	vsel vm1, $0x2, v0  }
0x5a: {  	v1 =	vor.u32 v2, v1  }
0x5b: {  	[tilespmem:$0xE50] =	vst v1;
	v1 =	vld [tilespmem:$0xC60]  }
0x5c: {  	v2 =	vld.idx.msk [tilespmem:v41+s2+$0x0], $0xffff;
	_ =	sdelay $0x1  }
0x5d: {  	v43 =	vshll.u32 v3, $0x4  }
0x5e: {  	v44 =	vld [tilespmem:$0xA70];
	v3 =	vshra.s32 v3, $0x4;
	v4 =	vand.u32 $0xF0, v43  }
0x5f: {  	v3 =	vadd.s32 v3, v4;
	v45 =	vand.u32 $0x1, v1  }
0x60: {  	vm10 =	veq.s32 v3, v2;
	vm11 =	veq.s32 v45, $0x1  }
0x61: {  	vm12 =	vgt.u32 v1, $0x1;
	vm0 =	vmand vm10, vm11  }
0x62: {  	vm1 =	vmor vm12, vm0  }
0x63: {  	v3 =	vld [tilespmem:$0x870];
	v2 =	vsel vm0, $0x1, v0;
	v1 =	vsel vm1, $0x2, v0  }
0x64: {  	v1 =	vor.u32 v2, v1  }
0x65: {  	[tilespmem:$0xE60] =	vst v1;
	v1 =	vld [tilespmem:$0xC70]  }
0x66: {  	v2 =	vld.idx.msk [tilespmem:v44+s2+$0x0], $0xffff;
	_ =	sdelay $0x1  }
0x67: {  	v46 =	vshll.u32 v3, $0x4  }
0x68: {  	v47 =	vld [tilespmem:$0xA80];
	v3 =	vshra.s32 v3, $0x4;
	v4 =	vand.u32 $0xF0, v46  }
0x69: {  	v3 =	vadd.s32 v3, v4;
	v48 =	vand.u32 $0x1, v1  }
0x6a: {  	vm13 =	veq.s32 v3, v2;
	vm14 =	veq.s32 v48, $0x1  }
0x6b: {  	vm15 =	vgt.u32 v1, $0x1;
	vm0 =	vmand vm13, vm14  }
0x6c: {  	vm1 =	vmor vm15, vm0  }
0x6d: {  	v3 =	vld [tilespmem:$0x880];
	v2 =	vsel vm0, $0x1, v0;
	v1 =	vsel vm1, $0x2, v0  }
0x6e: {  	v1 =	vor.u32 v2, v1  }
0x6f: {  	[tilespmem:$0xE70] =	vst v1;
	v1 =	vld [tilespmem:$0xC80]  }
0x70: {  	v2 =	vld.idx.msk [tilespmem:v47+s2+$0x0], $0xffff;
	_ =	sdelay $0x1  }
0x71: {  	v49 =	vshll.u32 v3, $0x4  }
0x72: {  	v50 =	vld [tilespmem:$0xA90];
	v3 =	vshra.s32 v3, $0x4;
	v4 =	vand.u32 $0xF0, v49  }
0x73: {  	v3 =	vadd.s32 v3, v4;
	v51 =	vand.u32 $0x1, v1  }
0x74: {  	vm4 =	veq.s32 v3, v2;
	vm5 =	veq.s32 v51, $0x1  }
0x75: {  	vm6 =	vgt.u32 v1, $0x1;
	vm0 =	vmand vm4, vm5  }
0x76: {  	vm1 =	vmor vm6, vm0  }
0x77: {  	v3 =	vld [tilespmem:$0x890];
	v2 =	vsel vm0, $0x1, v0;
	v1 =	vsel vm1, $0x2, v0  }
0x78: {  	v1 =	vor.u32 v2, v1  }
0x79: {  	[tilespmem:$0xE80] =	vst v1;
	v1 =	vld [tilespmem:$0xC90]  }
0x7a: {  	v2 =	vld.idx.msk [tilespmem:v50+s2+$0x0], $0xffff;
	_ =	sdelay $0x1  }
0x7b: {  	v52 =	vshll.u32 v3, $0x4  }
0x7c: {  	v53 =	vld [tilespmem:$0xAA0];
	v3 =	vshra.s32 v3, $0x4;
	v4 =	vand.u32 $0xF0, v52  }
0x7d: {  	v3 =	vadd.s32 v3, v4;
	v54 =	vand.u32 $0x1, v1  }
0x7e: {  	vm7 =	veq.s32 v3, v2;
	vm8 =	veq.s32 v54, $0x1  }
0x7f: {  	vm9 =	vgt.u32 v1, $0x1;
	vm0 =	vmand vm7, vm8  }
0x80: {  	vm1 =	vmor vm9, vm0  }
0x81: {  	v3 =	vld [tilespmem:$0x8A0];
	v2 =	vsel vm0, $0x1, v0;
	v1 =	vsel vm1, $0x2, v0  }
0x82: {  	v1 =	vor.u32 v2, v1  }
0x83: {  	[tilespmem:$0xE90] =	vst v1;
	v1 =	vld [tilespmem:$0xCA0]  }
0x84: {  	v2 =	vld.idx.msk [tilespmem:v53+s2+$0x0], $0xffff;
	_ =	sdelay $0x1  }
0x85: {  	v55 =	vshll.u32 v3, $0x4  }
0x86: {  	v56 =	vld [tilespmem:$0xAB0];
	v3 =	vshra.s32 v3, $0x4;
	v4 =	vand.u32 $0xF0, v55  }
0x87: {  	v3 =	vadd.s32 v3, v4;
	v57 =	vand.u32 $0x1, v1  }
0x88: {  	vm10 =	veq.s32 v3, v2;
	vm11 =	veq.s32 v57, $0x1  }
0x89: {  	vm12 =	vgt.u32 v1, $0x1;
	vm0 =	vmand vm10, vm11  }
0x8a: {  	vm1 =	vmor vm12, vm0  }
0x8b: {  	v3 =	vld [tilespmem:$0x8B0];
	v2 =	vsel vm0, $0x1, v0;
	v1 =	vsel vm1, $0x2, v0  }
0x8c: {  	v1 =	vor.u32 v2, v1  }
0x8d: {  	[tilespmem:$0xEA0] =	vst v1;
	v1 =	vld [tilespmem:$0xCB0]  }
0x8e: {  	v2 =	vld.idx.msk [tilespmem:v56+s2+$0x0], $0xffff;
	_ =	sdelay $0x1  }
0x8f: {  	v58 =	vshll.u32 v3, $0x4  }
0x90: {  	v59 =	vld [tilespmem:$0xAC0];
	v3 =	vshra.s32 v3, $0x4;
	v4 =	vand.u32 $0xF0, v58  }
0x91: {  	v3 =	vadd.s32 v3, v4;
	v60 =	vand.u32 $0x1, v1  }
0x92: {  	vm13 =	veq.s32 v3, v2;
	vm14 =	veq.s32 v60, $0x1  }
0x93: {  	vm15 =	vgt.u32 v1, $0x1;
	vm0 =	vmand vm13, vm14  }
0x94: {  	vm1 =	vmor vm15, vm0  }
0x95: {  	v3 =	vld [tilespmem:$0x8C0];
	v2 =	vsel vm0, $0x1, v0;
	v1 =	vsel vm1, $0x2, v0  }
0x96: {  	v1 =	vor.u32 v2, v1  }
0x97: {  	[tilespmem:$0xEB0] =	vst v1;
	v1 =	vld [tilespmem:$0xCC0]  }
0x98: {  	v2 =	vld.idx.msk [tilespmem:v59+s2+$0x0], $0xffff;
	_ =	sdelay $0x1  }
0x99: {  	v61 =	vshll.u32 v3, $0x4  }
0x9a: {  	v62 =	vld [tilespmem:$0xAD0];
	v3 =	vshra.s32 v3, $0x4;
	v4 =	vand.u32 $0xF0, v61  }
0x9b: {  	v3 =	vadd.s32 v3, v4;
	v63 =	vand.u32 $0x1, v1  }
0x9c: {  	vm4 =	veq.s32 v3, v2;
	vm5 =	veq.s32 v63, $0x1  }
0x9d: {  	vm6 =	vgt.u32 v1, $0x1;
	vm0 =	vmand vm4, vm5  }
0x9e: {  	vm1 =	vmor vm6, vm0  }
0x9f: {  	v3 =	vld [tilespmem:$0x8D0];
	v2 =	vsel vm0, $0x1, v0;
	v1 =	vsel vm1, $0x2, v0  }
0xa0: {  	v1 =	vor.u32 v2, v1  }
0xa1: {  	[tilespmem:$0xEC0] =	vst v1;
	v1 =	vld [tilespmem:$0xCD0]  }
0xa2: {  	v2 =	vld.idx.msk [tilespmem:v62+s2+$0x0], $0xffff;
	_ =	sdelay $0x1  }
0xa3: {  	v8 =	vshll.u32 v3, $0x4  }
0xa4: {  	v9 =	vld [tilespmem:$0xAE0];
	v3 =	vshra.s32 v3, $0x4;
	v4 =	vand.u32 $0xF0, v8  }
0xa5: {  	v3 =	vadd.s32 v3, v4;
	v10 =	vand.u32 $0x1, v1  }
0xa6: {  	vm7 =	veq.s32 v3, v2;
	vm8 =	veq.s32 v10, $0x1  }
0xa7: {  	vm9 =	vgt.u32 v1, $0x1;
	vm0 =	vmand vm7, vm8  }
0xa8: {  	vm1 =	vmor vm9, vm0  }
0xa9: {  	v3 =	vld [tilespmem:$0x8E0];
	v2 =	vsel vm0, $0x1, v0;
	v1 =	vsel vm1, $0x2, v0  }
0xaa: {  	v1 =	vor.u32 v2, v1  }
0xab: {  	[tilespmem:$0xED0] =	vst v1;
	v1 =	vld [tilespmem:$0xCE0]  }
0xac: {  	v2 =	vld.idx.msk [tilespmem:v9+s2+$0x0], $0xffff;
	_ =	sdelay $0x1  }
0xad: {  	v11 =	vshll.u32 v3, $0x4  }
0xae: {  	v12 =	vld [tilespmem:$0xAF0];
	v3 =	vshra.s32 v3, $0x4;
	v4 =	vand.u32 $0xF0, v11  }
0xaf: {  	v3 =	vadd.s32 v3, v4;
	v13 =	vand.u32 $0x1, v1  }
0xb0: {  	vm10 =	veq.s32 v3, v2;
	vm11 =	veq.s32 v13, $0x1  }
0xb1: {  	vm12 =	vgt.u32 v1, $0x1;
	vm0 =	vmand vm10, vm11  }
0xb2: {  	vm1 =	vmor vm12, vm0  }
0xb3: {  	v3 =	vld [tilespmem:$0x8F0];
	v2 =	vsel vm0, $0x1, v0;
	v1 =	vsel vm1, $0x2, v0  }
0xb4: {  	v1 =	vor.u32 v2, v1  }
0xb5: {  	[tilespmem:$0xEE0] =	vst v1;
	v1 =	vld [tilespmem:$0xCF0]  }
0xb6: {  	v2 =	vld.idx.msk [tilespmem:v12+s2+$0x0], $0xffff;
	_ =	sdelay $0x1  }
0xb7: {  	v14 =	vshll.u32 v3, $0x4  }
0xb8: {  	v15 =	vld [tilespmem:$0xB00];
	v3 =	vshra.s32 v3, $0x4;
	v4 =	vand.u32 $0xF0, v14  }
0xb9: {  	v3 =	vadd.s32 v3, v4;
	v16 =	vand.u32 $0x1, v1  }
0xba: {  	vm13 =	veq.s32 v3, v2;
	vm14 =	veq.s32 v16, $0x1  }
0xbb: {  	vm15 =	vgt.u32 v1, $0x1;
	vm0 =	vmand vm13, vm14  }
0xbc: {  	vm1 =	vmor vm15, vm0  }
0xbd: {  	v3 =	vld [tilespmem:$0x900];
	v2 =	vsel vm0, $0x1, v0;
	v1 =	vsel vm1, $0x2, v0  }
0xbe: {  	v1 =	vor.u32 v2, v1  }
0xbf: {  	[tilespmem:$0xEF0] =	vst v1;
	v1 =	vld [tilespmem:$0xD00]  }
0xc0: {  	v2 =	vld.idx.msk [tilespmem:v15+s2+$0x0], $0xffff;
	_ =	sdelay $0x1  }
0xc1: {  	v17 =	vshll.u32 v3, $0x4  }
0xc2: {  	v18 =	vld [tilespmem:$0xB10];
	v3 =	vshra.s32 v3, $0x4;
	v4 =	vand.u32 $0xF0, v17  }
0xc3: {  	v3 =	vadd.s32 v3, v4;
	v19 =	vand.u32 $0x1, v1  }
0xc4: {  	vm4 =	veq.s32 v3, v2;
	vm5 =	veq.s32 v19, $0x1  }
0xc5: {  	vm6 =	vgt.u32 v1, $0x1;
	vm0 =	vmand vm4, vm5  }
0xc6: {  	vm1 =	vmor vm6, vm0  }
0xc7: {  	v3 =	vld [tilespmem:$0x910];
	v2 =	vsel vm0, $0x1, v0;
	v1 =	vsel vm1, $0x2, v0  }
0xc8: {  	v1 =	vor.u32 v2, v1  }
0xc9: {  	[tilespmem:$0xF00] =	vst v1;
	v1 =	vld [tilespmem:$0xD10]  }
0xca: {  	v2 =	vld.idx.msk [tilespmem:v18+s2+$0x0], $0xffff;
	_ =	sdelay $0x1  }
0xcb: {  	v20 =	vshll.u32 v3, $0x4  }
0xcc: {  	v21 =	vld [tilespmem:$0xB20];
	v3 =	vshra.s32 v3, $0x4;
	v4 =	vand.u32 $0xF0, v20  }
0xcd: {  	v3 =	vadd.s32 v3, v4;
	v22 =	vand.u32 $0x1, v1  }
0xce: {  	vm7 =	veq.s32 v3, v2;
	vm8 =	veq.s32 v22, $0x1  }
0xcf: {  	vm9 =	vgt.u32 v1, $0x1;
	vm0 =	vmand vm7, vm8  }
0xd0: {  	vm1 =	vmor vm9, vm0  }
0xd1: {  	v3 =	vld [tilespmem:$0x920];
	v2 =	vsel vm0, $0x1, v0;
	v1 =	vsel vm1, $0x2, v0  }
0xd2: {  	v1 =	vor.u32 v2, v1  }
0xd3: {  	[tilespmem:$0xF10] =	vst v1;
	v1 =	vld [tilespmem:$0xD20]  }
0xd4: {  	v2 =	vld.idx.msk [tilespmem:v21+s2+$0x0], $0xffff;
	_ =	sdelay $0x1  }
0xd5: {  	v23 =	vshll.u32 v3, $0x4  }
0xd6: {  	v24 =	vld [tilespmem:$0xB30];
	v3 =	vshra.s32 v3, $0x4;
	v4 =	vand.u32 $0xF0, v23  }
0xd7: {  	v3 =	vadd.s32 v3, v4;
	v25 =	vand.u32 $0x1, v1  }
0xd8: {  	vm10 =	veq.s32 v3, v2;
	vm11 =	veq.s32 v25, $0x1  }
0xd9: {  	vm12 =	vgt.u32 v1, $0x1;
	vm0 =	vmand vm10, vm11  }
0xda: {  	vm1 =	vmor vm12, vm0  }
0xdb: {  	v3 =	vld [tilespmem:$0x930];
	v2 =	vsel vm0, $0x1, v0;
	v1 =	vsel vm1, $0x2, v0  }
0xdc: {  	v1 =	vor.u32 v2, v1  }
0xdd: {  	[tilespmem:$0xF20] =	vst v1;
	v1 =	vld [tilespmem:$0xD30]  }
0xde: {  	v2 =	vld.idx.msk [tilespmem:v24+s2+$0x0], $0xffff;
	_ =	sdelay $0x1  }
0xdf: {  	v26 =	vshll.u32 v3, $0x4  }
0xe0: {  	v27 =	vld [tilespmem:$0xB40];
	v3 =	vshra.s32 v3, $0x4;
	v4 =	vand.u32 $0xF0, v26  }
0xe1: {  	v3 =	vadd.s32 v3, v4;
	v28 =	vand.u32 $0x1, v1  }
0xe2: {  	vm13 =	veq.s32 v3, v2;
	vm14 =	veq.s32 v28, $0x1  }
0xe3: {  	vm15 =	vgt.u32 v1, $0x1;
	vm0 =	vmand vm13, vm14  }
0xe4: {  	vm1 =	vmor vm15, vm0  }
0xe5: {  	v3 =	vld [tilespmem:$0x940];
	v2 =	vsel vm0, $0x1, v0;
	v1 =	vsel vm1, $0x2, v0  }
0xe6: {  	v1 =	vor.u32 v2, v1  }
0xe7: {  	[tilespmem:$0xF30] =	vst v1;
	v1 =	vld [tilespmem:$0xD40]  }
0xe8: {  	v2 =	vld.idx.msk [tilespmem:v27+s2+$0x0], $0xffff;
	_ =	sdelay $0x1  }
0xe9: {  	v29 =	vshll.u32 v3, $0x4  }
0xea: {  	v30 =	vld [tilespmem:$0xB50];
	v3 =	vshra.s32 v3, $0x4;
	v4 =	vand.u32 $0xF0, v29  }
0xeb: {  	v3 =	vadd.s32 v3, v4;
	v31 =	vand.u32 $0x1, v1  }
0xec: {  	vm4 =	veq.s32 v3, v2;
	vm5 =	veq.s32 v31, $0x1  }
0xed: {  	vm6 =	vgt.u32 v1, $0x1;
	vm0 =	vmand vm4, vm5  }
0xee: {  	vm1 =	vmor vm6, vm0  }
0xef: {  	v3 =	vld [tilespmem:$0x950];
	v2 =	vsel vm0, $0x1, v0;
	v1 =	vsel vm1, $0x2, v0  }
0xf0: {  	v1 =	vor.u32 v2, v1  }
0xf1: {  	[tilespmem:$0xF40] =	vst v1;
	v1 =	vld [tilespmem:$0xD50]  }
0xf2: {  	v2 =	vld.idx.msk [tilespmem:v30+s2+$0x0], $0xffff;
	_ =	sdelay $0x1  }
0xf3: {  	v32 =	vshll.u32 v3, $0x4  }
0xf4: {  	v33 =	vld [tilespmem:$0xB60];
	v3 =	vshra.s32 v3, $0x4;
	v4 =	vand.u32 $0xF0, v32  }
0xf5: {  	v3 =	vadd.s32 v3, v4;
	v34 =	vand.u32 $0x1, v1  }
0xf6: {  	vm7 =	veq.s32 v3, v2;
	vm8 =	veq.s32 v34, $0x1  }
0xf7: {  	vm9 =	vgt.u32 v1, $0x1;
	vm0 =	vmand vm7, vm8  }
0xf8: {  	vm1 =	vmor vm9, vm0  }
0xf9: {  	v3 =	vld [tilespmem:$0x960];
	v2 =	vsel vm0, $0x1, v0;
	v1 =	vsel vm1, $0x2, v0  }
0xfa: {  	v1 =	vor.u32 v2, v1  }
0xfb: {  	[tilespmem:$0xF50] =	vst v1;
	v1 =	vld [tilespmem:$0xD60]  }
0xfc: {  	v2 =	vld.idx.msk [tilespmem:v33+s2+$0x0], $0xffff;
	_ =	sdelay $0x1  }
0xfd: {  	v35 =	vshll.u32 v3, $0x4  }
0xfe: {  	v36 =	vld [tilespmem:$0xB70];
	v3 =	vshra.s32 v3, $0x4;
	v4 =	vand.u32 $0xF0, v35  }
0xff: {  	v3 =	vadd.s32 v3, v4;
	v37 =	vand.u32 $0x1, v1  }
0x100: {  	vm10 =	veq.s32 v3, v2;
	vm11 =	veq.s32 v37, $0x1  }
0x101: {  	vm12 =	vgt.u32 v1, $0x1;
	vm0 =	vmand vm10, vm11  }
0x102: {  	vm1 =	vmor vm12, vm0  }
0x103: {  	v3 =	vld [tilespmem:$0x970];
	v2 =	vsel vm0, $0x1, v0;
	v1 =	vsel vm1, $0x2, v0  }
0x104: {  	v1 =	vor.u32 v2, v1  }
0x105: {  	[tilespmem:$0xF60] =	vst v1;
	v1 =	vld [tilespmem:$0xD70]  }
0x106: {  	v2 =	vld.idx.msk [tilespmem:v36+s2+$0x0], $0xffff;
	_ =	sdelay $0x1  }
0x107: {  	v38 =	vshll.u32 v3, $0x4  }
0x108: {  	v39 =	vld [tilespmem:$0xB80];
	v3 =	vshra.s32 v3, $0x4;
	v4 =	vand.u32 $0xF0, v38  }
0x109: {  	v3 =	vadd.s32 v3, v4;
	v40 =	vand.u32 $0x1, v1  }
0x10a: {  	vm13 =	veq.s32 v3, v2;
	vm14 =	veq.s32 v40, $0x1  }
0x10b: {  	vm15 =	vgt.u32 v1, $0x1;
	vm0 =	vmand vm13, vm14  }
0x10c: {  	vm1 =	vmor vm15, vm0  }
0x10d: {  	v3 =	vld [tilespmem:$0x980];
	v2 =	vsel vm0, $0x1, v0;
	v1 =	vsel vm1, $0x2, v0  }
0x10e: {  	v1 =	vor.u32 v2, v1  }
0x10f: {  	[tilespmem:$0xF70] =	vst v1;
	v1 =	vld [tilespmem:$0xD80]  }
0x110: {  	v2 =	vld.idx.msk [tilespmem:v39+s2+$0x0], $0xffff;
	_ =	sdelay $0x1  }
0x111: {  	v41 =	vshll.u32 v3, $0x4  }
0x112: {  	v42 =	vld [tilespmem:$0xB90];
	v3 =	vshra.s32 v3, $0x4;
	v4 =	vand.u32 $0xF0, v41  }
0x113: {  	v3 =	vadd.s32 v3, v4;
	v43 =	vand.u32 $0x1, v1  }
0x114: {  	vm4 =	veq.s32 v3, v2;
	vm5 =	veq.s32 v43, $0x1  }
0x115: {  	vm6 =	vgt.u32 v1, $0x1;
	vm0 =	vmand vm4, vm5  }
0x116: {  	vm1 =	vmor vm6, vm0  }
0x117: {  	v3 =	vld [tilespmem:$0x990];
	v2 =	vsel vm0, $0x1, v0;
	v1 =	vsel vm1, $0x2, v0  }
0x118: {  	v1 =	vor.u32 v2, v1  }
0x119: {  	[tilespmem:$0xF80] =	vst v1;
	v1 =	vld [tilespmem:$0xD90]  }
0x11a: {  	v2 =	vld.idx.msk [tilespmem:v42+s2+$0x0], $0xffff;
	_ =	sdelay $0x1  }
0x11b: {  	v44 =	vshll.u32 v3, $0x4  }
0x11c: {  	v45 =	vld [tilespmem:$0xBA0];
	v3 =	vshra.s32 v3, $0x4;
	v4 =	vand.u32 $0xF0, v44  }
0x11d: {  	v3 =	vadd.s32 v3, v4;
	v46 =	vand.u32 $0x1, v1  }
0x11e: {  	vm7 =	veq.s32 v3, v2;
	vm8 =	veq.s32 v46, $0x1  }
0x11f: {  	vm9 =	vgt.u32 v1, $0x1;
	vm0 =	vmand vm7, vm8  }
0x120: {  	vm1 =	vmor vm9, vm0  }
0x121: {  	v3 =	vld [tilespmem:$0x9A0];
	v2 =	vsel vm0, $0x1, v0;
	v1 =	vsel vm1, $0x2, v0  }
0x122: {  	v1 =	vor.u32 v2, v1  }
0x123: {  	[tilespmem:$0xF90] =	vst v1;
	v1 =	vld [tilespmem:$0xDA0]  }
0x124: {  	v2 =	vld.idx.msk [tilespmem:v45+s2+$0x0], $0xffff;
	_ =	sdelay $0x1  }
0x125: {  	v47 =	vshll.u32 v3, $0x4  }
0x126: {  	v48 =	vld [tilespmem:$0xBB0];
	v3 =	vshra.s32 v3, $0x4;
	v4 =	vand.u32 $0xF0, v47  }
0x127: {  	v3 =	vadd.s32 v3, v4;
	v49 =	vand.u32 $0x1, v1  }
0x128: {  	vm10 =	veq.s32 v3, v2;
	vm11 =	veq.s32 v49, $0x1  }
0x129: {  	vm12 =	vgt.u32 v1, $0x1;
	vm0 =	vmand vm10, vm11  }
0x12a: {  	vm1 =	vmor vm12, vm0  }
0x12b: {  	v3 =	vld [tilespmem:$0x9B0];
	v2 =	vsel vm0, $0x1, v0;
	v1 =	vsel vm1, $0x2, v0  }
0x12c: {  	v1 =	vor.u32 v2, v1  }
0x12d: {  	[tilespmem:$0xFA0] =	vst v1;
	v1 =	vld [tilespmem:$0xDB0]  }
0x12e: {  	v2 =	vld.idx.msk [tilespmem:v48+s2+$0x0], $0xffff;
	_ =	sdelay $0x1  }
0x12f: {  	v50 =	vshll.u32 v3, $0x4  }
0x130: {  	v51 =	vld [tilespmem:$0xBC0];
	v3 =	vshra.s32 v3, $0x4;
	v4 =	vand.u32 $0xF0, v50  }
0x131: {  	v3 =	vadd.s32 v3, v4;
	v52 =	vand.u32 $0x1, v1  }
0x132: {  	vm13 =	veq.s32 v3, v2;
	vm14 =	veq.s32 v52, $0x1  }
0x133: {  	vm15 =	vgt.u32 v1, $0x1;
	vm0 =	vmand vm13, vm14  }
0x134: {  	vm1 =	vmor vm15, vm0  }
0x135: {  	v3 =	vld [tilespmem:$0x9C0];
	v2 =	vsel vm0, $0x1, v0;
	v1 =	vsel vm1, $0x2, v0  }
0x136: {  	v1 =	vor.u32 v2, v1  }
0x137: {  	[tilespmem:$0xFB0] =	vst v1;
	v1 =	vld [tilespmem:$0xDC0]  }
0x138: {  	v2 =	vld.idx.msk [tilespmem:v51+s2+$0x0], $0xffff;
	_ =	sdelay $0x1  }
0x139: {  	v53 =	vshll.u32 v3, $0x4  }
0x13a: {  	v54 =	vld [tilespmem:$0xBD0];
	v3 =	vshra.s32 v3, $0x4;
	v4 =	vand.u32 $0xF0, v53  }
0x13b: {  	v3 =	vadd.s32 v3, v4;
	v55 =	vand.u32 $0x1, v1  }
0x13c: {  	vm4 =	veq.s32 v3, v2;
	vm5 =	veq.s32 v55, $0x1  }
0x13d: {  	vm6 =	vgt.u32 v1, $0x1;
	vm0 =	vmand vm4, vm5  }
0x13e: {  	vm1 =	vmor vm6, vm0  }
0x13f: {  	v3 =	vld [tilespmem:$0x9D0];
	v2 =	vsel vm0, $0x1, v0;
	v1 =	vsel vm1, $0x2, v0  }
0x140: {  	v1 =	vor.u32 v2, v1  }
0x141: {  	[tilespmem:$0xFC0] =	vst v1;
	v1 =	vld [tilespmem:$0xDD0]  }
0x142: {  	v2 =	vld.idx.msk [tilespmem:v54+s2+$0x0], $0xffff;
	_ =	sdelay $0x1  }
0x143: {  	v56 =	vshll.u32 v3, $0x4  }
0x144: {  	v57 =	vld [tilespmem:$0xBE0];
	v3 =	vshra.s32 v3, $0x4;
	v4 =	vand.u32 $0xF0, v56  }
0x145: {  	v3 =	vadd.s32 v3, v4;
	v58 =	vand.u32 $0x1, v1  }
0x146: {  	vm7 =	veq.s32 v3, v2;
	vm8 =	veq.s32 v58, $0x1  }
0x147: {  	vm9 =	vgt.u32 v1, $0x1;
	vm0 =	vmand vm7, vm8  }
0x148: {  	vm1 =	vmor vm9, vm0  }
0x149: {  	v3 =	vld [tilespmem:$0x9E0];
	v2 =	vsel vm0, $0x1, v0;
	v1 =	vsel vm1, $0x2, v0  }
0x14a: {  	v1 =	vor.u32 v2, v1  }
0x14b: {  	[tilespmem:$0xFD0] =	vst v1;
	v1 =	vld [tilespmem:$0xDE0]  }
0x14c: {  	v2 =	vld.idx.msk [tilespmem:v57+s2+$0x0], $0xffff;
	_ =	sdelay $0x1  }
0x14d: {  	v59 =	vshll.u32 v3, $0x4  }
0x14e: {  	v60 =	vld [tilespmem:$0xBF0];
	v3 =	vshra.s32 v3, $0x4;
	v4 =	vand.u32 $0xF0, v59  }
0x14f: {  	v3 =	vadd.s32 v3, v4;
	v61 =	vand.u32 $0x1, v1  }
0x150: {  	vm10 =	veq.s32 v3, v2;
	vm11 =	veq.s32 v61, $0x1  }
0x151: {  	vm12 =	vgt.u32 v1, $0x1;
	vm0 =	vmand vm10, vm11  }
0x152: {  	vm1 =	vmor vm12, vm0  }
0x153: {  	v3 =	vld [tilespmem:$0x9F0];
	v2 =	vsel vm0, $0x1, v0;
	v1 =	vsel vm1, $0x2, v0  }
0x154: {  	v1 =	vor.u32 v2, v1  }
0x155: {  	[tilespmem:$0xFE0] =	vst v1;
	v1 =	vld [tilespmem:$0xDF0]  }
0x156: {  	v2 =	vld.idx.msk [tilespmem:v60+s2+$0x0], $0xffff;
	_ =	sdelay $0x1  }
0x157: {  	v62 =	vshll.u32 v3, $0x4  }
0x158: {  	v3 =	vshra.s32 v3, $0x4;
	v4 =	vand.u32 $0xF0, v62  }
0x159: {  	v3 =	vadd.s32 v3, v4;
	v63 =	vand.u32 $0x1, v1  }
0x15a: {  	vm13 =	veq.s32 v3, v2;
	vm14 =	veq.s32 v63, $0x1  }
0x15b: {  	vm15 =	vgt.u32 v1, $0x1;
	vm0 =	vmand vm13, vm14  }
0x15c: {  	vm1 =	vmor vm15, vm0  }
0x15d: {  	v2 =	vsel vm0, $0x1, v0;
	v1 =	vsel vm1, $0x2, v0  }
0x15e: {  	p0 =	sne.s32 s8, $0x1;
	v1 =	vor.u32 v2, v1  }
.Ltmp0:
0x15f: {  	[tilespmem:$0xFF0] =	vst v1;
	(pc) =	sbr.rel @p0 .LBB2_1-.Ltmp0, $4  }
0x160: {  	[hbm4b:s7+s9] =	stream.strided.scatter [tilespmem:s15], [sflag:$0x1], $0x200, s10, s9, $0x38;
	[tilespmem:$0x1000] =	vst v63  }
0x161: {  	_ =	swait.ge [sflag:s11], $0x200  }
0x162: {  	[sflag:s11] =	ssyncset.done $0x0  }
0x163: {  	s8 =	sadd.s32 $0xFFFFFFFF, s8;
	[sflag:s11] =	ssyncadd.s32 $0xFFFFFE00  }
0x164: {  	_ =	sfence.sel $0x180000  }
0x165: {  	[bflag:$0x0] =	sbarrier.arrive $0xFFFF  }
0x166: {  	p0 =	sne.s32 s1, $0x0;
	_ =	strace $0x90000047  }
0x167: {  	s0 =	sadd.s32 @!p0 $0x100000, s0;
	[bflag:$0x2] =	sbarrier.arrive $0xFFFF  }
0x168: {  	[sflag:s0] =	ssyncadd.tile.s32 @!p0 $0x1;
	_ =	shalt  }
.Lfunc_end2:
_tile_overlayer_lowered:
.L_overlay_start_2:
0x169: {  	(tag) =	ssettag $0x2  }
0x16a: {  	s0 =	rddreg [dreg:$0x0];
	s2 =	stileid.u32  }
0x16b: {  	s1 =	rddreg [dreg:$0x1];
	p0 =	sne.s32 s2, $0x0  }
0x16c: {  	s3 =	rddreg [dreg:$0x2];
	[bflag:$0x3] =	sbarrier.arrive $0xFFFF;
	s2 =	simm.s32 @!p0 $0x1C01  }
0x16d: {  	[timem:s3], [sflag:s2] =	dma.local @!p0 [hbm:s0], s1  }
0x16e: {  	s0 =	simm.s32 @!p0 $0x1  }
0x16f: {  	_ =	swait.ge @!p0 [sflag:s0], s1  }
0x170: {  	s1 =	ssub.s32 @!p0 $0x0, s1;
	[sflag:s0] =	ssyncset.done @!p0 $0x0  }
0x171: {  	[sflag:s0] =	ssyncadd.s32 @!p0 s1  }
0x172: {  	[bflag:$0x3] =	sbarrier.arrive $0xFFFF  }
0x173: {  	_ =	shalt  }

</sc_bundles>
